<compile_context>
chip_gen: v7x
topology: tpu7x:2x2x1
jax: 0.10.2.dev20260603
libtpu: 0.0.44.dev20260713+nightly
codegen_flags: <defaults>
</compile_context>

<pallas_src>
import functools
import math

import jax
import jax.numpy as jnp
from jax import lax
from jax.experimental import pallas as pl
from jax.experimental.pallas import tpu as pltpu
from jax.experimental.pallas import tpu_sc as plsc

D_MODEL = 64
SCALE = math.sqrt(D_MODEL)
LANES = 16
SEQ_CHUNK = 4


def _make_kernel(n_seq, seq_len):
    info = plsc.get_sparse_core_info()
    nc, ns = info.num_cores, info.num_subcores
    nw = nc * ns
    assert n_seq % nw == 0
    seq_per_w = n_seq // nw
    assert seq_per_w % SEQ_CHUNK == 0
    n_chunks = seq_per_w // SEQ_CHUNK
    assert n_chunks % 2 == 0
    n_pairs = n_chunks // 2
    vregs_per_row = D_MODEL // LANES

    mesh = plsc.VectorSubcoreMesh(core_axis_name="c", subcore_axis_name="s")

    @functools.partial(
        pl.kernel,
        mesh=mesh,
        out_type=jax.ShapeDtypeStruct((n_seq, seq_len, D_MODEL), jnp.float32),
        scratch_types=[
            pltpu.VMEM((seq_per_w, seq_len), jnp.int32),
            pltpu.VMEM((SEQ_CHUNK, seq_len, D_MODEL), jnp.float32),
            pltpu.VMEM((SEQ_CHUNK, seq_len, D_MODEL), jnp.float32),
            pltpu.SemaphoreType.DMA,
            pltpu.SemaphoreType.DMA,
            pltpu.SemaphoreType.DMA,
            pltpu.SemaphoreType.DMA,
        ],
        compiler_params=pltpu.CompilerParams(use_tc_tiling_on_sc=False),
    )
    def body(x_hbm, table_hbm, out_hbm, idx_all, rows0, rows1,
             gsem0, gsem1, osem0, osem1):
        wid = lax.axis_index("s") * nc + lax.axis_index("c")
        base = wid * seq_per_w
        rows_v = (rows0, rows1)
        gsem = (gsem0, gsem1)
        osem = (osem0, osem1)

        pltpu.sync_copy(x_hbm.at[pl.ds(base, seq_per_w)], idx_all)

        def start_gather(c, b):
            for s in range(SEQ_CHUNK):
                pltpu.async_copy(
                    table_hbm.at[idx_all.at[c * SEQ_CHUNK + s]],
                    rows_v[b].at[s], gsem[b])

        def wait_gather(c, b):
            for s in range(SEQ_CHUNK):
                pltpu.make_async_copy(
                    table_hbm.at[idx_all.at[c * SEQ_CHUNK + s]],
                    rows_v[b].at[s], gsem[b]).wait()

        def start_writeback(c, b):
            pltpu.async_copy(
                rows_v[b],
                out_hbm.at[pl.ds(base + c * SEQ_CHUNK, SEQ_CHUNK)],
                osem[b])

        def wait_writeback(c, b):
            pltpu.make_async_copy(
                rows_v[b],
                out_hbm.at[pl.ds(base + c * SEQ_CHUNK, SEQ_CHUNK)],
                osem[b]).wait()

        def scale(b):
            rows = rows_v[b]

            def scale_body(r, _):
                for s in range(SEQ_CHUNK):
                    for k in range(vregs_per_row):
                        sl = pl.ds(k * LANES, LANES)
                        rows[s, r, sl] = rows[s, r, sl] * SCALE
                return 0

            lax.fori_loop(0, seq_len, scale_body, 0)

        start_gather(0, 0)

        def pair_body(p, _):
            c0 = 2 * p
            c1 = c0 + 1
            wait_gather(c0, 0)

            @pl.when(p > 0)
            def _():
                wait_writeback(c0 - 1, 1)

            start_gather(c1, 1)
            scale(0)
            start_writeback(c0, 0)
            wait_gather(c1, 1)
            wait_writeback(c0, 0)

            @pl.when(p < n_pairs - 1)
            def _():
                start_gather(c0 + 2, 0)

            scale(1)
            start_writeback(c1, 1)
            return 0

        lax.fori_loop(0, n_pairs, pair_body, 0)
        wait_writeback(n_chunks - 1, 1)

    return body


def kernel(x, table):
    n_seq, seq_len = x.shape
    return _make_kernel(n_seq, seq_len)(x.astype(jnp.int32), table)

# --- scband reference (transcript-rebuilt; emitter-appended) ---
"""Pipeline reference for scband-input-embeddings-77489799954453 (READ-ONLY COPY).

The authoritative reference and input builder live on the scoring server;
editing this copy changes nothing except your own understanding.
"""

import jax, jax.numpy as jnp
import numpy as np
import math

D_MODEL = 64
VOCAB = 1000000

def setup_inputs(seed: int = 0) -> dict:
    key = jax.random.key(seed)
    k1, k2 = jax.random.split(key)
    x = jax.random.randint(k1, (4096, 200), 0, VOCAB, dtype=jnp.int64)
    # nn.Embedding default init: N(0, 1)
    table = jax.random.normal(k2, (VOCAB, D_MODEL), dtype=jnp.float32)
    return {"x": x, "table": table}

def reference(x, table):
    emb = jnp.take(table, x, axis=0)
    return emb * math.sqrt(D_MODEL)

if __name__ == "__main__":
    import jax
    _d = setup_inputs()
    print(jax.jit(kernel)(*tuple(_d.values())))

</pallas_src>

<mosaic_0001>
#map = affine_map<(d0, d1) -> (0, 0)>
#map1 = affine_map<(d0, d1) -> (0, 0, 0)>
module attributes {stable_mosaic.version = 14 : i64} {
  func.func @body(%arg0: i32, %arg1: i32, %arg2: memref<4096x200xi32, #tpu.memory_space<hbm>>, %arg3: memref<1000000x64xf32, #tpu.memory_space<hbm>>, %arg4: memref<4096x200x64xf32, #tpu.memory_space<hbm>>, %arg5: memref<128x200xi32, #tpu.memory_space<vmem>>, %arg6: memref<4x200x64xf32, #tpu.memory_space<vmem>>, %arg7: memref<4x200x64xf32, #tpu.memory_space<vmem>>, %arg8: memref<!tpu.dma_semaphore, #tpu.memory_space<semaphore_mem>>, %arg9: memref<!tpu.dma_semaphore, #tpu.memory_space<semaphore_mem>>, %arg10: memref<!tpu.dma_semaphore, #tpu.memory_space<semaphore_mem>>, %arg11: memref<!tpu.dma_semaphore, #tpu.memory_space<semaphore_mem>>) attributes {dimension_semantics = [#tpu.dimension_semantics<core_parallel>, #tpu.dimension_semantics<subcore_parallel>], iteration_bounds = array<i64: 2, 16>, scalar_prefetch = 0 : i64, scratch_operands = 7 : i64, tpu.core_type = #tpu.core_type<sc_vector_subcore>, window_params = [{transform_indices = #map}, {transform_indices = #map}, {transform_indices = #map1}]} {
    %mul3A = arith.constant 2 : i32
    %mul3A_0 = arith.muli %arg1, %mul3A : i32
    %add3A = arith.addi %mul3A_0, %arg0 : i32
    %mul3A_1 = arith.constant 128 : i32
    %mul3A_2 = arith.muli %add3A, %mul3A_1 : i32
    "tpu.region"() ({
      %run_scoped3A = tpu.sem_alloc : memref<!tpu.dma_semaphore, #tpu.memory_space<semaphore_mem>>
      %dma_start3A_63 = arith.constant 0 : i32
      %dma_start3A_64 = tpu.memref_slice %arg2[%mul3A_2, %dma_start3A_63] : memref<4096x200xi32, #tpu.memory_space<hbm>> -> memref<128x200xi32, #tpu.memory_space<hbm>>
      %dma_start3A_65 = arith.constant 0 : i32
      %dma_start3A_66 = tpu.memref_slice %arg2[%mul3A_2, %dma_start3A_65] : memref<4096x200xi32, #tpu.memory_space<hbm>> -> memref<128x200xi32, #tpu.memory_space<hbm>>
      tpu.enqueue_dma source(%dma_start3A_66 : memref<128x200xi32, #tpu.memory_space<hbm>>) target(%arg5 : memref<128x200xi32, #tpu.memory_space<vmem>>) target_semaphore(%run_scoped3A : memref<!tpu.dma_semaphore, #tpu.memory_space<semaphore_mem>>)
      %dma_wait3A_67 = arith.constant 0 : i32
      %dma_wait3A_68 = tpu.memref_slice %arg2[%mul3A_2, %dma_wait3A_67] : memref<4096x200xi32, #tpu.memory_space<hbm>> -> memref<128x200xi32, #tpu.memory_space<hbm>>
      %dma_wait3A_69 = arith.constant 0 : i32
      %dma_wait3A_70 = tpu.memref_slice %arg2[%mul3A_2, %dma_wait3A_69] : memref<4096x200xi32, #tpu.memory_space<hbm>> -> memref<128x200xi32, #tpu.memory_space<hbm>>
      tpu.wait_dma2 semaphore(%run_scoped3A : memref<!tpu.dma_semaphore, #tpu.memory_space<semaphore_mem>>) src(%dma_wait3A_70 : memref<128x200xi32, #tpu.memory_space<hbm>>) dst(%arg5 : memref<128x200xi32, #tpu.memory_space<vmem>>)
      tpu.yield
    }) : () -> ()
    %dma_start3A = arith.constant 0 : i32
    %dma_start3A_3 = arith.constant 0 : i32
    %dma_start3A_4 = arith.constant 0 : i32
    %dma_start3A_5 = arith.constant 0 : i32
    %dma_start3A_6 = tpu.memref_slice %arg6[%dma_start3A_3, %dma_start3A_4, %dma_start3A_5] : memref<4x200x64xf32, #tpu.memory_space<vmem>> -> memref<1x200x64xf32, #tpu.memory_space<vmem>>
    %dma_start3A_7 = tpu.memref_squeeze %dma_start3A_6 : memref<1x200x64xf32, #tpu.memory_space<vmem>> -> memref<200x64xf32, #tpu.memory_space<vmem>>
    %dma_start3A_8 = arith.constant 0 : i32
    %dma_start3A_9 = tpu.memref_slice %arg5[%dma_start3A, %dma_start3A_8] : memref<128x200xi32, #tpu.memory_space<vmem>> -> memref<1x200xi32, #tpu.memory_space<vmem>>
    %dma_start3A_10 = tpu.memref_squeeze %dma_start3A_9 : memref<1x200xi32, #tpu.memory_space<vmem>> -> memref<200xi32, #tpu.memory_space<vmem>>
    %dma_start3A_11 = arith.constant 0 : i32
    %dma_start3A_12 = arith.constant 0 : i32
    %dma_start3A_13 = tpu.memref_slice %arg3[%dma_start3A_11, %dma_start3A_12] : memref<1000000x64xf32, #tpu.memory_space<hbm>> -> memref<1000000x64xf32, #tpu.memory_space<hbm>>
    tpu.enqueue_indirect_dma source(%dma_start3A_13 : memref<1000000x64xf32, #tpu.memory_space<hbm>>) target(%dma_start3A_7 : memref<200x64xf32, #tpu.memory_space<vmem>>) offsets(%dma_start3A_10 : memref<200xi32, #tpu.memory_space<vmem>>) semaphore(%arg8 : memref<!tpu.dma_semaphore, #tpu.memory_space<semaphore_mem>>)
    %dma_start3A_14 = arith.constant 1 : i32
    %dma_start3A_15 = arith.constant 1 : i32
    %dma_start3A_16 = arith.constant 0 : i32
    %dma_start3A_17 = arith.constant 0 : i32
    %dma_start3A_18 = tpu.memref_slice %arg6[%dma_start3A_15, %dma_start3A_16, %dma_start3A_17] : memref<4x200x64xf32, #tpu.memory_space<vmem>> -> memref<1x200x64xf32, #tpu.memory_space<vmem>>
    %dma_start3A_19 = tpu.memref_squeeze %dma_start3A_18 : memref<1x200x64xf32, #tpu.memory_space<vmem>> -> memref<200x64xf32, #tpu.memory_space<vmem>>
    %dma_start3A_20 = arith.constant 0 : i32
    %dma_start3A_21 = tpu.memref_slice %arg5[%dma_start3A_14, %dma_start3A_20] : memref<128x200xi32, #tpu.memory_space<vmem>> -> memref<1x200xi32, #tpu.memory_space<vmem>>
    %dma_start3A_22 = tpu.memref_squeeze %dma_start3A_21 : memref<1x200xi32, #tpu.memory_space<vmem>> -> memref<200xi32, #tpu.memory_space<vmem>>
    %dma_start3A_23 = arith.constant 0 : i32
    %dma_start3A_24 = arith.constant 0 : i32
    %dma_start3A_25 = tpu.memref_slice %arg3[%dma_start3A_23, %dma_start3A_24] : memref<1000000x64xf32, #tpu.memory_space<hbm>> -> memref<1000000x64xf32, #tpu.memory_space<hbm>>
    tpu.enqueue_indirect_dma source(%dma_start3A_25 : memref<1000000x64xf32, #tpu.memory_space<hbm>>) target(%dma_start3A_19 : memref<200x64xf32, #tpu.memory_space<vmem>>) offsets(%dma_start3A_22 : memref<200xi32, #tpu.memory_space<vmem>>) semaphore(%arg8 : memref<!tpu.dma_semaphore, #tpu.memory_space<semaphore_mem>>)
    %dma_start3A_26 = arith.constant 2 : i32
    %dma_start3A_27 = arith.constant 2 : i32
    %dma_start3A_28 = arith.constant 0 : i32
    %dma_start3A_29 = arith.constant 0 : i32
    %dma_start3A_30 = tpu.memref_slice %arg6[%dma_start3A_27, %dma_start3A_28, %dma_start3A_29] : memref<4x200x64xf32, #tpu.memory_space<vmem>> -> memref<1x200x64xf32, #tpu.memory_space<vmem>>
    %dma_start3A_31 = tpu.memref_squeeze %dma_start3A_30 : memref<1x200x64xf32, #tpu.memory_space<vmem>> -> memref<200x64xf32, #tpu.memory_space<vmem>>
    %dma_start3A_32 = arith.constant 0 : i32
    %dma_start3A_33 = tpu.memref_slice %arg5[%dma_start3A_26, %dma_start3A_32] : memref<128x200xi32, #tpu.memory_space<vmem>> -> memref<1x200xi32, #tpu.memory_space<vmem>>
    %dma_start3A_34 = tpu.memref_squeeze %dma_start3A_33 : memref<1x200xi32, #tpu.memory_space<vmem>> -> memref<200xi32, #tpu.memory_space<vmem>>
    %dma_start3A_35 = arith.constant 0 : i32
    %dma_start3A_36 = arith.constant 0 : i32
    %dma_start3A_37 = tpu.memref_slice %arg3[%dma_start3A_35, %dma_start3A_36] : memref<1000000x64xf32, #tpu.memory_space<hbm>> -> memref<1000000x64xf32, #tpu.memory_space<hbm>>
    tpu.enqueue_indirect_dma source(%dma_start3A_37 : memref<1000000x64xf32, #tpu.memory_space<hbm>>) target(%dma_start3A_31 : memref<200x64xf32, #tpu.memory_space<vmem>>) offsets(%dma_start3A_34 : memref<200xi32, #tpu.memory_space<vmem>>) semaphore(%arg8 : memref<!tpu.dma_semaphore, #tpu.memory_space<semaphore_mem>>)
    %dma_start3A_38 = arith.constant 3 : i32
    %dma_start3A_39 = arith.constant 3 : i32
    %dma_start3A_40 = arith.constant 0 : i32
    %dma_start3A_41 = arith.constant 0 : i32
    %dma_start3A_42 = tpu.memref_slice %arg6[%dma_start3A_39, %dma_start3A_40, %dma_start3A_41] : memref<4x200x64xf32, #tpu.memory_space<vmem>> -> memref<1x200x64xf32, #tpu.memory_space<vmem>>
    %dma_start3A_43 = tpu.memref_squeeze %dma_start3A_42 : memref<1x200x64xf32, #tpu.memory_space<vmem>> -> memref<200x64xf32, #tpu.memory_space<vmem>>
    %dma_start3A_44 = arith.constant 0 : i32
    %dma_start3A_45 = tpu.memref_slice %arg5[%dma_start3A_38, %dma_start3A_44] : memref<128x200xi32, #tpu.memory_space<vmem>> -> memref<1x200xi32, #tpu.memory_space<vmem>>
    %dma_start3A_46 = tpu.memref_squeeze %dma_start3A_45 : memref<1x200xi32, #tpu.memory_space<vmem>> -> memref<200xi32, #tpu.memory_space<vmem>>
    %dma_start3A_47 = arith.constant 0 : i32
    %dma_start3A_48 = arith.constant 0 : i32
    %dma_start3A_49 = tpu.memref_slice %arg3[%dma_start3A_47, %dma_start3A_48] : memref<1000000x64xf32, #tpu.memory_space<hbm>> -> memref<1000000x64xf32, #tpu.memory_space<hbm>>
    tpu.enqueue_indirect_dma source(%dma_start3A_49 : memref<1000000x64xf32, #tpu.memory_space<hbm>>) target(%dma_start3A_43 : memref<200x64xf32, #tpu.memory_space<vmem>>) offsets(%dma_start3A_46 : memref<200xi32, #tpu.memory_space<vmem>>) semaphore(%arg8 : memref<!tpu.dma_semaphore, #tpu.memory_space<semaphore_mem>>)
    %scan3A = arith.constant 0 : i32
    %scan3A_50 = arith.constant 0 : i32
    %scan3A_51 = arith.constant 16 : i32
    %scan3A_52 = arith.addi %scan3A_50, %scan3A_51 : i32
    %scan3A_53 = arith.constant 1 : i32
    %scan3A_54 = scf.for %scan3A_63 = %scan3A_50 to %scan3A_52 step %scan3A_53 iter_args(%scan3A_64 = %scan3A) -> (i32)  : i32 {
      %mul3A_65 = arith.constant 2 : i32
      %mul3A_66 = arith.muli %mul3A_65, %scan3A_63 : i32
      %add3A_67 = arith.constant 1 : i32
      %add3A_68 = arith.addi %mul3A_66, %add3A_67 : i32
      %mul3A_69 = arith.constant 4 : i32
      %mul3A_70 = arith.muli %mul3A_66, %mul3A_69 : i32
      %add3A_71 = arith.constant 0 : i32
      %add3A_72 = arith.addi %mul3A_70, %add3A_71 : i32
      %dma_wait3A_73 = arith.constant 0 : i32
      %dma_wait3A_74 = arith.constant 0 : i32
      %dma_wait3A_75 = arith.constant 0 : i32
      %dma_wait3A_76 = tpu.memref_slice %arg6[%dma_wait3A_73, %dma_wait3A_74, %dma_wait3A_75] : memref<4x200x64xf32, #tpu.memory_space<vmem>> -> memref<1x200x64xf32, #tpu.memory_space<vmem>>
      %dma_wait3A_77 = tpu.memref_squeeze %dma_wait3A_76 : memref<1x200x64xf32, #tpu.memory_space<vmem>> -> memref<200x64xf32, #tpu.memory_space<vmem>>
      %dma_wait3A_78 = arith.constant 0 : i32
      %dma_wait3A_79 = tpu.memref_slice %arg5[%add3A_72, %dma_wait3A_78] : memref<128x200xi32, #tpu.memory_space<vmem>> -> memref<1x200xi32, #tpu.memory_space<vmem>>
      %dma_wait3A_80 = tpu.memref_squeeze %dma_wait3A_79 : memref<1x200xi32, #tpu.memory_space<vmem>> -> memref<200xi32, #tpu.memory_space<vmem>>
      %dma_wait3A_81 = arith.constant 0 : i32
      %dma_wait3A_82 = arith.constant 0 : i32
      %dma_wait3A_83 = tpu.memref_slice %arg3[%dma_wait3A_81, %dma_wait3A_82] : memref<1000000x64xf32, #tpu.memory_space<hbm>> -> memref<1000000x64xf32, #tpu.memory_space<hbm>>
      tpu.wait_indirect_dma semaphore(%arg8 : memref<!tpu.dma_semaphore, #tpu.memory_space<semaphore_mem>>) src(%dma_wait3A_83 : memref<1000000x64xf32, #tpu.memory_space<hbm>>) dst(%dma_wait3A_77 : memref<200x64xf32, #tpu.memory_space<vmem>>)
      %mul3A_84 = arith.constant 4 : i32
      %mul3A_85 = arith.muli %mul3A_66, %mul3A_84 : i32
      %add3A_86 = arith.constant 1 : i32
      %add3A_87 = arith.addi %mul3A_85, %add3A_86 : i32
      %dma_wait3A_88 = arith.constant 1 : i32
      %dma_wait3A_89 = arith.constant 0 : i32
      %dma_wait3A_90 = arith.constant 0 : i32
      %dma_wait3A_91 = tpu.memref_slice %arg6[%dma_wait3A_88, %dma_wait3A_89, %dma_wait3A_90] : memref<4x200x64xf32, #tpu.memory_space<vmem>> -> memref<1x200x64xf32, #tpu.memory_space<vmem>>
      %dma_wait3A_92 = tpu.memref_squeeze %dma_wait3A_91 : memref<1x200x64xf32, #tpu.memory_space<vmem>> -> memref<200x64xf32, #tpu.memory_space<vmem>>
      %dma_wait3A_93 = arith.constant 0 : i32
      %dma_wait3A_94 = tpu.memref_slice %arg5[%add3A_87, %dma_wait3A_93] : memref<128x200xi32, #tpu.memory_space<vmem>> -> memref<1x200xi32, #tpu.memory_space<vmem>>
      %dma_wait3A_95 = tpu.memref_squeeze %dma_wait3A_94 : memref<1x200xi32, #tpu.memory_space<vmem>> -> memref<200xi32, #tpu.memory_space<vmem>>
      %dma_wait3A_96 = arith.constant 0 : i32
      %dma_wait3A_97 = arith.constant 0 : i32
      %dma_wait3A_98 = tpu.memref_slice %arg3[%dma_wait3A_96, %dma_wait3A_97] : memref<1000000x64xf32, #tpu.memory_space<hbm>> -> memref<1000000x64xf32, #tpu.memory_space<hbm>>
      tpu.wait_indirect_dma semaphore(%arg8 : memref<!tpu.dma_semaphore, #tpu.memory_space<semaphore_mem>>) src(%dma_wait3A_98 : memref<1000000x64xf32, #tpu.memory_space<hbm>>) dst(%dma_wait3A_92 : memref<200x64xf32, #tpu.memory_space<vmem>>)
      %mul3A_99 = arith.constant 4 : i32
      %mul3A_100 = arith.muli %mul3A_66, %mul3A_99 : i32
      %add3A_101 = arith.constant 2 : i32
      %add3A_102 = arith.addi %mul3A_100, %add3A_101 : i32
      %dma_wait3A_103 = arith.constant 2 : i32
      %dma_wait3A_104 = arith.constant 0 : i32
      %dma_wait3A_105 = arith.constant 0 : i32
      %dma_wait3A_106 = tpu.memref_slice %arg6[%dma_wait3A_103, %dma_wait3A_104, %dma_wait3A_105] : memref<4x200x64xf32, #tpu.memory_space<vmem>> -> memref<1x200x64xf32, #tpu.memory_space<vmem>>
      %dma_wait3A_107 = tpu.memref_squeeze %dma_wait3A_106 : memref<1x200x64xf32, #tpu.memory_space<vmem>> -> memref<200x64xf32, #tpu.memory_space<vmem>>
      %dma_wait3A_108 = arith.constant 0 : i32
      %dma_wait3A_109 = tpu.memref_slice %arg5[%add3A_102, %dma_wait3A_108] : memref<128x200xi32, #tpu.memory_space<vmem>> -> memref<1x200xi32, #tpu.memory_space<vmem>>
      %dma_wait3A_110 = tpu.memref_squeeze %dma_wait3A_109 : memref<1x200xi32, #tpu.memory_space<vmem>> -> memref<200xi32, #tpu.memory_space<vmem>>
      %dma_wait3A_111 = arith.constant 0 : i32
      %dma_wait3A_112 = arith.constant 0 : i32
      %dma_wait3A_113 = tpu.memref_slice %arg3[%dma_wait3A_111, %dma_wait3A_112] : memref<1000000x64xf32, #tpu.memory_space<hbm>> -> memref<1000000x64xf32, #tpu.memory_space<hbm>>
      tpu.wait_indirect_dma semaphore(%arg8 : memref<!tpu.dma_semaphore, #tpu.memory_space<semaphore_mem>>) src(%dma_wait3A_113 : memref<1000000x64xf32, #tpu.memory_space<hbm>>) dst(%dma_wait3A_107 : memref<200x64xf32, #tpu.memory_space<vmem>>)
      %mul3A_114 = arith.constant 4 : i32
      %mul3A_115 = arith.muli %mul3A_66, %mul3A_114 : i32
      %add3A_116 = arith.constant 3 : i32
      %add3A_117 = arith.addi %mul3A_115, %add3A_116 : i32
      %dma_wait3A_118 = arith.constant 3 : i32
      %dma_wait3A_119 = arith.constant 0 : i32
      %dma_wait3A_120 = arith.constant 0 : i32
      %dma_wait3A_121 = tpu.memref_slice %arg6[%dma_wait3A_118, %dma_wait3A_119, %dma_wait3A_120] : memref<4x200x64xf32, #tpu.memory_space<vmem>> -> memref<1x200x64xf32, #tpu.memory_space<vmem>>
      %dma_wait3A_122 = tpu.memref_squeeze %dma_wait3A_121 : memref<1x200x64xf32, #tpu.memory_space<vmem>> -> memref<200x64xf32, #tpu.memory_space<vmem>>
      %dma_wait3A_123 = arith.constant 0 : i32
      %dma_wait3A_124 = tpu.memref_slice %arg5[%add3A_117, %dma_wait3A_123] : memref<128x200xi32, #tpu.memory_space<vmem>> -> memref<1x200xi32, #tpu.memory_space<vmem>>
      %dma_wait3A_125 = tpu.memref_squeeze %dma_wait3A_124 : memref<1x200xi32, #tpu.memory_space<vmem>> -> memref<200xi32, #tpu.memory_space<vmem>>
      %dma_wait3A_126 = arith.constant 0 : i32
      %dma_wait3A_127 = arith.constant 0 : i32
      %dma_wait3A_128 = tpu.memref_slice %arg3[%dma_wait3A_126, %dma_wait3A_127] : memref<1000000x64xf32, #tpu.memory_space<hbm>> -> memref<1000000x64xf32, #tpu.memory_space<hbm>>
      tpu.wait_indirect_dma semaphore(%arg8 : memref<!tpu.dma_semaphore, #tpu.memory_space<semaphore_mem>>) src(%dma_wait3A_128 : memref<1000000x64xf32, #tpu.memory_space<hbm>>) dst(%dma_wait3A_122 : memref<200x64xf32, #tpu.memory_space<vmem>>)
      %gt3A = arith.constant 0 : i32
      %gt3A_129 = arith.cmpi sgt, %scan3A_63, %gt3A : i32
      %convert_element_type3A = arith.extui %gt3A_129 : i1 to i32
      %cond3A = arith.constant 0 : i32
      %cond3A_130 = arith.cmpi ne, %convert_element_type3A, %cond3A : i32
      scf.if %cond3A_130 {
        %sub3A = arith.constant 1 : i32
        %sub3A_297 = arith.subi %mul3A_66, %sub3A : i32
        %mul3A_298 = arith.constant 4 : i32
        %mul3A_299 = arith.muli %sub3A_297, %mul3A_298 : i32
        %add3A_300 = arith.addi %mul3A_2, %mul3A_299 : i32
        %dma_wait3A_301 = arith.constant 0 : i32
        %dma_wait3A_302 = arith.constant 0 : i32
        %dma_wait3A_303 = tpu.memref_slice %arg4[%add3A_300, %dma_wait3A_301, %dma_wait3A_302] : memref<4096x200x64xf32, #tpu.memory_space<hbm>> -> memref<4x200x64xf32, #tpu.memory_space<hbm>>
        %dma_wait3A_304 = arith.constant 0 : i32
        %dma_wait3A_305 = arith.constant 0 : i32
        %dma_wait3A_306 = tpu.memref_slice %arg4[%add3A_300, %dma_wait3A_304, %dma_wait3A_305] : memref<4096x200x64xf32, #tpu.memory_space<hbm>> -> memref<4x200x64xf32, #tpu.memory_space<hbm>>
        tpu.wait_dma2 semaphore(%arg11 : memref<!tpu.dma_semaphore, #tpu.memory_space<semaphore_mem>>) src(%arg7 : memref<4x200x64xf32, #tpu.memory_space<vmem>>) dst(%dma_wait3A_306 : memref<4x200x64xf32, #tpu.memory_space<hbm>>)
      } else {
      }
      %mul3A_131 = arith.constant 4 : i32
      %mul3A_132 = arith.muli %add3A_68, %mul3A_131 : i32
      %add3A_133 = arith.constant 0 : i32
      %add3A_134 = arith.addi %mul3A_132, %add3A_133 : i32
      %dma_start3A_135 = arith.constant 0 : i32
      %dma_start3A_136 = arith.constant 0 : i32
      %dma_start3A_137 = arith.constant 0 : i32
      %dma_start3A_138 = tpu.memref_slice %arg7[%dma_start3A_135, %dma_start3A_136, %dma_start3A_137] : memref<4x200x64xf32, #tpu.memory_space<vmem>> -> memref<1x200x64xf32, #tpu.memory_space<vmem>>
      %dma_start3A_139 = tpu.memref_squeeze %dma_start3A_138 : memref<1x200x64xf32, #tpu.memory_space<vmem>> -> memref<200x64xf32, #tpu.memory_space<vmem>>
      %dma_start3A_140 = arith.constant 0 : i32
      %dma_start3A_141 = tpu.memref_slice %arg5[%add3A_134, %dma_start3A_140] : memref<128x200xi32, #tpu.memory_space<vmem>> -> memref<1x200xi32, #tpu.memory_space<vmem>>
      %dma_start3A_142 = tpu.memref_squeeze %dma_start3A_141 : memref<1x200xi32, #tpu.memory_space<vmem>> -> memref<200xi32, #tpu.memory_space<vmem>>
      %dma_start3A_143 = arith.constant 0 : i32
      %dma_start3A_144 = arith.constant 0 : i32
      %dma_start3A_145 = tpu.memref_slice %arg3[%dma_start3A_143, %dma_start3A_144] : memref<1000000x64xf32, #tpu.memory_space<hbm>> -> memref<1000000x64xf32, #tpu.memory_space<hbm>>
      tpu.enqueue_indirect_dma source(%dma_start3A_145 : memref<1000000x64xf32, #tpu.memory_space<hbm>>) target(%dma_start3A_139 : memref<200x64xf32, #tpu.memory_space<vmem>>) offsets(%dma_start3A_142 : memref<200xi32, #tpu.memory_space<vmem>>) semaphore(%arg9 : memref<!tpu.dma_semaphore, #tpu.memory_space<semaphore_mem>>)
      %mul3A_146 = arith.constant 4 : i32
      %mul3A_147 = arith.muli %add3A_68, %mul3A_146 : i32
      %add3A_148 = arith.constant 1 : i32
      %add3A_149 = arith.addi %mul3A_147, %add3A_148 : i32
      %dma_start3A_150 = arith.constant 1 : i32
      %dma_start3A_151 = arith.constant 0 : i32
      %dma_start3A_152 = arith.constant 0 : i32
      %dma_start3A_153 = tpu.memref_slice %arg7[%dma_start3A_150, %dma_start3A_151, %dma_start3A_152] : memref<4x200x64xf32, #tpu.memory_space<vmem>> -> memref<1x200x64xf32, #tpu.memory_space<vmem>>
      %dma_start3A_154 = tpu.memref_squeeze %dma_start3A_153 : memref<1x200x64xf32, #tpu.memory_space<vmem>> -> memref<200x64xf32, #tpu.memory_space<vmem>>
      %dma_start3A_155 = arith.constant 0 : i32
      %dma_start3A_156 = tpu.memref_slice %arg5[%add3A_149, %dma_start3A_155] : memref<128x200xi32, #tpu.memory_space<vmem>> -> memref<1x200xi32, #tpu.memory_space<vmem>>
      %dma_start3A_157 = tpu.memref_squeeze %dma_start3A_156 : memref<1x200xi32, #tpu.memory_space<vmem>> -> memref<200xi32, #tpu.memory_space<vmem>>
      %dma_start3A_158 = arith.constant 0 : i32
      %dma_start3A_159 = arith.constant 0 : i32
      %dma_start3A_160 = tpu.memref_slice %arg3[%dma_start3A_158, %dma_start3A_159] : memref<1000000x64xf32, #tpu.memory_space<hbm>> -> memref<1000000x64xf32, #tpu.memory_space<hbm>>
      tpu.enqueue_indirect_dma source(%dma_start3A_160 : memref<1000000x64xf32, #tpu.memory_space<hbm>>) target(%dma_start3A_154 : memref<200x64xf32, #tpu.memory_space<vmem>>) offsets(%dma_start3A_157 : memref<200xi32, #tpu.memory_space<vmem>>) semaphore(%arg9 : memref<!tpu.dma_semaphore, #tpu.memory_space<semaphore_mem>>)
      %mul3A_161 = arith.constant 4 : i32
      %mul3A_162 = arith.muli %add3A_68, %mul3A_161 : i32
      %add3A_163 = arith.constant 2 : i32
      %add3A_164 = arith.addi %mul3A_162, %add3A_163 : i32
      %dma_start3A_165 = arith.constant 2 : i32
      %dma_start3A_166 = arith.constant 0 : i32
      %dma_start3A_167 = arith.constant 0 : i32
      %dma_start3A_168 = tpu.memref_slice %arg7[%dma_start3A_165, %dma_start3A_166, %dma_start3A_167] : memref<4x200x64xf32, #tpu.memory_space<vmem>> -> memref<1x200x64xf32, #tpu.memory_space<vmem>>
      %dma_start3A_169 = tpu.memref_squeeze %dma_start3A_168 : memref<1x200x64xf32, #tpu.memory_space<vmem>> -> memref<200x64xf32, #tpu.memory_space<vmem>>
      %dma_start3A_170 = arith.constant 0 : i32
      %dma_start3A_171 = tpu.memref_slice %arg5[%add3A_164, %dma_start3A_170] : memref<128x200xi32, #tpu.memory_space<vmem>> -> memref<1x200xi32, #tpu.memory_space<vmem>>
      %dma_start3A_172 = tpu.memref_squeeze %dma_start3A_171 : memref<1x200xi32, #tpu.memory_space<vmem>> -> memref<200xi32, #tpu.memory_space<vmem>>
      %dma_start3A_173 = arith.constant 0 : i32
      %dma_start3A_174 = arith.constant 0 : i32
      %dma_start3A_175 = tpu.memref_slice %arg3[%dma_start3A_173, %dma_start3A_174] : memref<1000000x64xf32, #tpu.memory_space<hbm>> -> memref<1000000x64xf32, #tpu.memory_space<hbm>>
      tpu.enqueue_indirect_dma source(%dma_start3A_175 : memref<1000000x64xf32, #tpu.memory_space<hbm>>) target(%dma_start3A_169 : memref<200x64xf32, #tpu.memory_space<vmem>>) offsets(%dma_start3A_172 : memref<200xi32, #tpu.memory_space<vmem>>) semaphore(%arg9 : memref<!tpu.dma_semaphore, #tpu.memory_space<semaphore_mem>>)
      %mul3A_176 = arith.constant 4 : i32
      %mul3A_177 = arith.muli %add3A_68, %mul3A_176 : i32
      %add3A_178 = arith.constant 3 : i32
      %add3A_179 = arith.addi %mul3A_177, %add3A_178 : i32
      %dma_start3A_180 = arith.constant 3 : i32
      %dma_start3A_181 = arith.constant 0 : i32
      %dma_start3A_182 = arith.constant 0 : i32
      %dma_start3A_183 = tpu.memref_slice %arg7[%dma_start3A_180, %dma_start3A_181, %dma_start3A_182] : memref<4x200x64xf32, #tpu.memory_space<vmem>> -> memref<1x200x64xf32, #tpu.memory_space<vmem>>
      %dma_start3A_184 = tpu.memref_squeeze %dma_start3A_183 : memref<1x200x64xf32, #tpu.memory_space<vmem>> -> memref<200x64xf32, #tpu.memory_space<vmem>>
      %dma_start3A_185 = arith.constant 0 : i32
      %dma_start3A_186 = tpu.memref_slice %arg5[%add3A_179, %dma_start3A_185] : memref<128x200xi32, #tpu.memory_space<vmem>> -> memref<1x200xi32, #tpu.memory_space<vmem>>
      %dma_start3A_187 = tpu.memref_squeeze %dma_start3A_186 : memref<1x200xi32, #tpu.memory_space<vmem>> -> memref<200xi32, #tpu.memory_space<vmem>>
      %dma_start3A_188 = arith.constant 0 : i32
      %dma_start3A_189 = arith.constant 0 : i32
      %dma_start3A_190 = tpu.memref_slice %arg3[%dma_start3A_188, %dma_start3A_189] : memref<1000000x64xf32, #tpu.memory_space<hbm>> -> memref<1000000x64xf32, #tpu.memory_space<hbm>>
      tpu.enqueue_indirect_dma source(%dma_start3A_190 : memref<1000000x64xf32, #tpu.memory_space<hbm>>) target(%dma_start3A_184 : memref<200x64xf32, #tpu.memory_space<vmem>>) offsets(%dma_start3A_187 : memref<200xi32, #tpu.memory_space<vmem>>) semaphore(%arg9 : memref<!tpu.dma_semaphore, #tpu.memory_space<semaphore_mem>>)
      %scan3A_191 = arith.constant 0 : i32
      %scan3A_192 = arith.constant 0 : i32
      %scan3A_193 = arith.constant 200 : i32
      %scan3A_194 = arith.addi %scan3A_192, %scan3A_193 : i32
      %scan3A_195 = arith.constant 1 : i32
      %scan3A_196 = scf.for %scan3A_297 = %scan3A_192 to %scan3A_194 step %scan3A_195 iter_args(%scan3A_298 = %scan3A_191) -> (i32)  : i32 {
        %get3A = arith.constant 0 : i32
        %get3A_299 = arith.index_cast %get3A : i32 to index
        %get3A_300 = arith.index_cast %scan3A_297 : i32 to index
        %get3A_301 = arith.constant 0 : index
        %get3A_302 = tpu.vector_load %arg6[%get3A_299, %get3A_300, %get3A_301] {strides = array<i32>} : memref<4x200x64xf32, #tpu.memory_space<vmem>>, vector<1x1x16xf32>,
        %get3A_303 = vector.shape_cast %get3A_302 : vector<1x1x16xf32> to vector<16xf32>
        %mul3A_304 = arith.constant 8.000000e+00 : f32
        %mul3A_305 = vector.broadcast %mul3A_304 : f32 to vector<16xf32>
        %mul3A_306 = arith.mulf %get3A_303, %mul3A_305 : vector<16xf32>
        %swap3A = arith.constant 0 : i32
        %swap3A_307 = arith.index_cast %swap3A : i32 to index
        %swap3A_308 = arith.index_cast %scan3A_297 : i32 to index
        %swap3A_309 = arith.constant 0 : index
        %swap3A_310 = tpu.vector_load %arg6[%swap3A_307, %swap3A_308, %swap3A_309] {strides = array<i32>} : memref<4x200x64xf32, #tpu.memory_space<vmem>>, vector<1x1x16xf32>,
        %swap3A_311 = vector.shape_cast %swap3A_310 : vector<1x1x16xf32> to vector<16xf32>
        %swap3A_312 = vector.shape_cast %mul3A_306 : vector<16xf32> to vector<1x1x16xf32>
        tpu.vector_store %arg6[%swap3A_307, %swap3A_308, %swap3A_309], %swap3A_312 {strides = array<i32>} : memref<4x200x64xf32, #tpu.memory_space<vmem>>, vector<1x1x16xf32>,
        %get3A_313 = arith.constant 0 : i32
        %get3A_314 = arith.index_cast %get3A_313 : i32 to index
        %get3A_315 = arith.index_cast %scan3A_297 : i32 to index
        %get3A_316 = arith.constant 16 : index
        %get3A_317 = tpu.vector_load %arg6[%get3A_314, %get3A_315, %get3A_316] {strides = array<i32>} : memref<4x200x64xf32, #tpu.memory_space<vmem>>, vector<1x1x16xf32>,
        %get3A_318 = vector.shape_cast %get3A_317 : vector<1x1x16xf32> to vector<16xf32>
        %mul3A_319 = arith.constant 8.000000e+00 : f32
        %mul3A_320 = vector.broadcast %mul3A_319 : f32 to vector<16xf32>
        %mul3A_321 = arith.mulf %get3A_318, %mul3A_320 : vector<16xf32>
        %swap3A_322 = arith.constant 0 : i32
        %swap3A_323 = arith.index_cast %swap3A_322 : i32 to index
        %swap3A_324 = arith.index_cast %scan3A_297 : i32 to index
        %swap3A_325 = arith.constant 16 : index
        %swap3A_326 = tpu.vector_load %arg6[%swap3A_323, %swap3A_324, %swap3A_325] {strides = array<i32>} : memref<4x200x64xf32, #tpu.memory_space<vmem>>, vector<1x1x16xf32>,
        %swap3A_327 = vector.shape_cast %swap3A_326 : vector<1x1x16xf32> to vector<16xf32>
        %swap3A_328 = vector.shape_cast %mul3A_321 : vector<16xf32> to vector<1x1x16xf32>
        tpu.vector_store %arg6[%swap3A_323, %swap3A_324, %swap3A_325], %swap3A_328 {strides = array<i32>} : memref<4x200x64xf32, #tpu.memory_space<vmem>>, vector<1x1x16xf32>,
        %get3A_329 = arith.constant 0 : i32
        %get3A_330 = arith.index_cast %get3A_329 : i32 to index
        %get3A_331 = arith.index_cast %scan3A_297 : i32 to index
        %get3A_332 = arith.constant 32 : index
        %get3A_333 = tpu.vector_load %arg6[%get3A_330, %get3A_331, %get3A_332] {strides = array<i32>} : memref<4x200x64xf32, #tpu.memory_space<vmem>>, vector<1x1x16xf32>,
        %get3A_334 = vector.shape_cast %get3A_333 : vector<1x1x16xf32> to vector<16xf32>
        %mul3A_335 = arith.constant 8.000000e+00 : f32
        %mul3A_336 = vector.broadcast %mul3A_335 : f32 to vector<16xf32>
        %mul3A_337 = arith.mulf %get3A_334, %mul3A_336 : vector<16xf32>
        %swap3A_338 = arith.constant 0 : i32
        %swap3A_339 = arith.index_cast %swap3A_338 : i32 to index
        %swap3A_340 = arith.index_cast %scan3A_297 : i32 to index
        %swap3A_341 = arith.constant 32 : index
        %swap3A_342 = tpu.vector_load %arg6[%swap3A_339, %swap3A_340, %swap3A_341] {strides = array<i32>} : memref<4x200x64xf32, #tpu.memory_space<vmem>>, vector<1x1x16xf32>,
        %swap3A_343 = vector.shape_cast %swap3A_342 : vector<1x1x16xf32> to vector<16xf32>
        %swap3A_344 = vector.shape_cast %mul3A_337 : vector<16xf32> to vector<1x1x16xf32>
        tpu.vector_store %arg6[%swap3A_339, %swap3A_340, %swap3A_341], %swap3A_344 {strides = array<i32>} : memref<4x200x64xf32, #tpu.memory_space<vmem>>, vector<1x1x16xf32>,
        %get3A_345 = arith.constant 0 : i32
        %get3A_346 = arith.index_cast %get3A_345 : i32 to index
        %get3A_347 = arith.index_cast %scan3A_297 : i32 to index
        %get3A_348 = arith.constant 48 : index
        %get3A_349 = tpu.vector_load %arg6[%get3A_346, %get3A_347, %get3A_348] {strides = array<i32>} : memref<4x200x64xf32, #tpu.memory_space<vmem>>, vector<1x1x16xf32>,
        %get3A_350 = vector.shape_cast %get3A_349 : vector<1x1x16xf32> to vector<16xf32>
        %mul3A_351 = arith.constant 8.000000e+00 : f32
        %mul3A_352 = vector.broadcast %mul3A_351 : f32 to vector<16xf32>
        %mul3A_353 = arith.mulf %get3A_350, %mul3A_352 : vector<16xf32>
        %swap3A_354 = arith.constant 0 : i32
        %swap3A_355 = arith.index_cast %swap3A_354 : i32 to index
        %swap3A_356 = arith.index_cast %scan3A_297 : i32 to index
        %swap3A_357 = arith.constant 48 : index
        %swap3A_358 = tpu.vector_load %arg6[%swap3A_355, %swap3A_356, %swap3A_357] {strides = array<i32>} : memref<4x200x64xf32, #tpu.memory_space<vmem>>, vector<1x1x16xf32>,
        %swap3A_359 = vector.shape_cast %swap3A_358 : vector<1x1x16xf32> to vector<16xf32>
        %swap3A_360 = vector.shape_cast %mul3A_353 : vector<16xf32> to vector<1x1x16xf32>
        tpu.vector_store %arg6[%swap3A_355, %swap3A_356, %swap3A_357], %swap3A_360 {strides = array<i32>} : memref<4x200x64xf32, #tpu.memory_space<vmem>>, vector<1x1x16xf32>,
        %get3A_361 = arith.constant 1 : i32
        %get3A_362 = arith.index_cast %get3A_361 : i32 to index
        %get3A_363 = arith.index_cast %scan3A_297 : i32 to index
        %get3A_364 = arith.constant 0 : index
        %get3A_365 = tpu.vector_load %arg6[%get3A_362, %get3A_363, %get3A_364] {strides = array<i32>} : memref<4x200x64xf32, #tpu.memory_space<vmem>>, vector<1x1x16xf32>,
        %get3A_366 = vector.shape_cast %get3A_365 : vector<1x1x16xf32> to vector<16xf32>
        %mul3A_367 = arith.constant 8.000000e+00 : f32
        %mul3A_368 = vector.broadcast %mul3A_367 : f32 to vector<16xf32>
        %mul3A_369 = arith.mulf %get3A_366, %mul3A_368 : vector<16xf32>
        %swap3A_370 = arith.constant 1 : i32
        %swap3A_371 = arith.index_cast %swap3A_370 : i32 to index
        %swap3A_372 = arith.index_cast %scan3A_297 : i32 to index
        %swap3A_373 = arith.constant 0 : index
        %swap3A_374 = tpu.vector_load %arg6[%swap3A_371, %swap3A_372, %swap3A_373] {strides = array<i32>} : memref<4x200x64xf32, #tpu.memory_space<vmem>>, vector<1x1x16xf32>,
        %swap3A_375 = vector.shape_cast %swap3A_374 : vector<1x1x16xf32> to vector<16xf32>
        %swap3A_376 = vector.shape_cast %mul3A_369 : vector<16xf32> to vector<1x1x16xf32>
        tpu.vector_store %arg6[%swap3A_371, %swap3A_372, %swap3A_373], %swap3A_376 {strides = array<i32>} : memref<4x200x64xf32, #tpu.memory_space<vmem>>, vector<1x1x16xf32>,
        %get3A_377 = arith.constant 1 : i32
        %get3A_378 = arith.index_cast %get3A_377 : i32 to index
        %get3A_379 = arith.index_cast %scan3A_297 : i32 to index
        %get3A_380 = arith.constant 16 : index
        %get3A_381 = tpu.vector_load %arg6[%get3A_378, %get3A_379, %get3A_380] {strides = array<i32>} : memref<4x200x64xf32, #tpu.memory_space<vmem>>, vector<1x1x16xf32>,
        %get3A_382 = vector.shape_cast %get3A_381 : vector<1x1x16xf32> to vector<16xf32>
        %mul3A_383 = arith.constant 8.000000e+00 : f32
        %mul3A_384 = vector.broadcast %mul3A_383 : f32 to vector<16xf32>
        %mul3A_385 = arith.mulf %get3A_382, %mul3A_384 : vector<16xf32>
        %swap3A_386 = arith.constant 1 : i32
        %swap3A_387 = arith.index_cast %swap3A_386 : i32 to index
        %swap3A_388 = arith.index_cast %scan3A_297 : i32 to index
        %swap3A_389 = arith.constant 16 : index
        %swap3A_390 = tpu.vector_load %arg6[%swap3A_387, %swap3A_388, %swap3A_389] {strides = array<i32>} : memref<4x200x64xf32, #tpu.memory_space<vmem>>, vector<1x1x16xf32>,
        %swap3A_391 = vector.shape_cast %swap3A_390 : vector<1x1x16xf32> to vector<16xf32>
        %swap3A_392 = vector.shape_cast %mul3A_385 : vector<16xf32> to vector<1x1x16xf32>
        tpu.vector_store %arg6[%swap3A_387, %swap3A_388, %swap3A_389], %swap3A_392 {strides = array<i32>} : memref<4x200x64xf32, #tpu.memory_space<vmem>>, vector<1x1x16xf32>,
        %get3A_393 = arith.constant 1 : i32
        %get3A_394 = arith.index_cast %get3A_393 : i32 to index
        %get3A_395 = arith.index_cast %scan3A_297 : i32 to index
        %get3A_396 = arith.constant 32 : index
        %get3A_397 = tpu.vector_load %arg6[%get3A_394, %get3A_395, %get3A_396] {strides = array<i32>} : memref<4x200x64xf32, #tpu.memory_space<vmem>>, vector<1x1x16xf32>,
        %get3A_398 = vector.shape_cast %get3A_397 : vector<1x1x16xf32> to vector<16xf32>
        %mul3A_399 = arith.constant 8.000000e+00 : f32
        %mul3A_400 = vector.broadcast %mul3A_399 : f32 to vector<16xf32>
        %mul3A_401 = arith.mulf %get3A_398, %mul3A_400 : vector<16xf32>
        %swap3A_402 = arith.constant 1 : i32
        %swap3A_403 = arith.index_cast %swap3A_402 : i32 to index
        %swap3A_404 = arith.index_cast %scan3A_297 : i32 to index
        %swap3A_405 = arith.constant 32 : index
        %swap3A_406 = tpu.vector_load %arg6[%swap3A_403, %swap3A_404, %swap3A_405] {strides = array<i32>} : memref<4x200x64xf32, #tpu.memory_space<vmem>>, vector<1x1x16xf32>,
        %swap3A_407 = vector.shape_cast %swap3A_406 : vector<1x1x16xf32> to vector<16xf32>
        %swap3A_408 = vector.shape_cast %mul3A_401 : vector<16xf32> to vector<1x1x16xf32>
        tpu.vector_store %arg6[%swap3A_403, %swap3A_404, %swap3A_405], %swap3A_408 {strides = array<i32>} : memref<4x200x64xf32, #tpu.memory_space<vmem>>, vector<1x1x16xf32>,
        %get3A_409 = arith.constant 1 : i32
        %get3A_410 = arith.index_cast %get3A_409 : i32 to index
        %get3A_411 = arith.index_cast %scan3A_297 : i32 to index
        %get3A_412 = arith.constant 48 : index
        %get3A_413 = tpu.vector_load %arg6[%get3A_410, %get3A_411, %get3A_412] {strides = array<i32>} : memref<4x200x64xf32, #tpu.memory_space<vmem>>, vector<1x1x16xf32>,
        %get3A_414 = vector.shape_cast %get3A_413 : vector<1x1x16xf32> to vector<16xf32>
        %mul3A_415 = arith.constant 8.000000e+00 : f32
        %mul3A_416 = vector.broadcast %mul3A_415 : f32 to vector<16xf32>
        %mul3A_417 = arith.mulf %get3A_414, %mul3A_416 : vector<16xf32>
        %swap3A_418 = arith.constant 1 : i32
        %swap3A_419 = arith.index_cast %swap3A_418 : i32 to index
        %swap3A_420 = arith.index_cast %scan3A_297 : i32 to index
        %swap3A_421 = arith.constant 48 : index
        %swap3A_422 = tpu.vector_load %arg6[%swap3A_419, %swap3A_420, %swap3A_421] {strides = array<i32>} : memref<4x200x64xf32, #tpu.memory_space<vmem>>, vector<1x1x16xf32>,
        %swap3A_423 = vector.shape_cast %swap3A_422 : vector<1x1x16xf32> to vector<16xf32>
        %swap3A_424 = vector.shape_cast %mul3A_417 : vector<16xf32> to vector<1x1x16xf32>
        tpu.vector_store %arg6[%swap3A_419, %swap3A_420, %swap3A_421], %swap3A_424 {strides = array<i32>} : memref<4x200x64xf32, #tpu.memory_space<vmem>>, vector<1x1x16xf32>,
        %get3A_425 = arith.constant 2 : i32
        %get3A_426 = arith.index_cast %get3A_425 : i32 to index
        %get3A_427 = arith.index_cast %scan3A_297 : i32 to index
        %get3A_428 = arith.constant 0 : index
        %get3A_429 = tpu.vector_load %arg6[%get3A_426, %get3A_427, %get3A_428] {strides = array<i32>} : memref<4x200x64xf32, #tpu.memory_space<vmem>>, vector<1x1x16xf32>,
        %get3A_430 = vector.shape_cast %get3A_429 : vector<1x1x16xf32> to vector<16xf32>
        %mul3A_431 = arith.constant 8.000000e+00 : f32
        %mul3A_432 = vector.broadcast %mul3A_431 : f32 to vector<16xf32>
        %mul3A_433 = arith.mulf %get3A_430, %mul3A_432 : vector<16xf32>
        %swap3A_434 = arith.constant 2 : i32
        %swap3A_435 = arith.index_cast %swap3A_434 : i32 to index
        %swap3A_436 = arith.index_cast %scan3A_297 : i32 to index
        %swap3A_437 = arith.constant 0 : index
        %swap3A_438 = tpu.vector_load %arg6[%swap3A_435, %swap3A_436, %swap3A_437] {strides = array<i32>} : memref<4x200x64xf32, #tpu.memory_space<vmem>>, vector<1x1x16xf32>,
        %swap3A_439 = vector.shape_cast %swap3A_438 : vector<1x1x16xf32> to vector<16xf32>
        %swap3A_440 = vector.shape_cast %mul3A_433 : vector<16xf32> to vector<1x1x16xf32>
        tpu.vector_store %arg6[%swap3A_435, %swap3A_436, %swap3A_437], %swap3A_440 {strides = array<i32>} : memref<4x200x64xf32, #tpu.memory_space<vmem>>, vector<1x1x16xf32>,
        %get3A_441 = arith.constant 2 : i32
        %get3A_442 = arith.index_cast %get3A_441 : i32 to index
        %get3A_443 = arith.index_cast %scan3A_297 : i32 to index
        %get3A_444 = arith.constant 16 : index
        %get3A_445 = tpu.vector_load %arg6[%get3A_442, %get3A_443, %get3A_444] {strides = array<i32>} : memref<4x200x64xf32, #tpu.memory_space<vmem>>, vector<1x1x16xf32>,
        %get3A_446 = vector.shape_cast %get3A_445 : vector<1x1x16xf32> to vector<16xf32>
        %mul3A_447 = arith.constant 8.000000e+00 : f32
        %mul3A_448 = vector.broadcast %mul3A_447 : f32 to vector<16xf32>
        %mul3A_449 = arith.mulf %get3A_446, %mul3A_448 : vector<16xf32>
        %swap3A_450 = arith.constant 2 : i32
        %swap3A_451 = arith.index_cast %swap3A_450 : i32 to index
        %swap3A_452 = arith.index_cast %scan3A_297 : i32 to index
        %swap3A_453 = arith.constant 16 : index
        %swap3A_454 = tpu.vector_load %arg6[%swap3A_451, %swap3A_452, %swap3A_453] {strides = array<i32>} : memref<4x200x64xf32, #tpu.memory_space<vmem>>, vector<1x1x16xf32>,
        %swap3A_455 = vector.shape_cast %swap3A_454 : vector<1x1x16xf32> to vector<16xf32>
        %swap3A_456 = vector.shape_cast %mul3A_449 : vector<16xf32> to vector<1x1x16xf32>
        tpu.vector_store %arg6[%swap3A_451, %swap3A_452, %swap3A_453], %swap3A_456 {strides = array<i32>} : memref<4x200x64xf32, #tpu.memory_space<vmem>>, vector<1x1x16xf32>,
        %get3A_457 = arith.constant 2 : i32
        %get3A_458 = arith.index_cast %get3A_457 : i32 to index
        %get3A_459 = arith.index_cast %scan3A_297 : i32 to index
        %get3A_460 = arith.constant 32 : index
        %get3A_461 = tpu.vector_load %arg6[%get3A_458, %get3A_459, %get3A_460] {strides = array<i32>} : memref<4x200x64xf32, #tpu.memory_space<vmem>>, vector<1x1x16xf32>,
        %get3A_462 = vector.shape_cast %get3A_461 : vector<1x1x16xf32> to vector<16xf32>
        %mul3A_463 = arith.constant 8.000000e+00 : f32
        %mul3A_464 = vector.broadcast %mul3A_463 : f32 to vector<16xf32>
        %mul3A_465 = arith.mulf %get3A_462, %mul3A_464 : vector<16xf32>
        %swap3A_466 = arith.constant 2 : i32
        %swap3A_467 = arith.index_cast %swap3A_466 : i32 to index
        %swap3A_468 = arith.index_cast %scan3A_297 : i32 to index
        %swap3A_469 = arith.constant 32 : index
        %swap3A_470 = tpu.vector_load %arg6[%swap3A_467, %swap3A_468, %swap3A_469] {strides = array<i32>} : memref<4x200x64xf32, #tpu.memory_space<vmem>>, vector<1x1x16xf32>,
        %swap3A_471 = vector.shape_cast %swap3A_470 : vector<1x1x16xf32> to vector<16xf32>
        %swap3A_472 = vector.shape_cast %mul3A_465 : vector<16xf32> to vector<1x1x16xf32>
        tpu.vector_store %arg6[%swap3A_467, %swap3A_468, %swap3A_469], %swap3A_472 {strides = array<i32>} : memref<4x200x64xf32, #tpu.memory_space<vmem>>, vector<1x1x16xf32>,
        %get3A_473 = arith.constant 2 : i32
        %get3A_474 = arith.index_cast %get3A_473 : i32 to index
        %get3A_475 = arith.index_cast %scan3A_297 : i32 to index
        %get3A_476 = arith.constant 48 : index
        %get3A_477 = tpu.vector_load %arg6[%get3A_474, %get3A_475, %get3A_476] {strides = array<i32>} : memref<4x200x64xf32, #tpu.memory_space<vmem>>, vector<1x1x16xf32>,
        %get3A_478 = vector.shape_cast %get3A_477 : vector<1x1x16xf32> to vector<16xf32>
        %mul3A_479 = arith.constant 8.000000e+00 : f32
        %mul3A_480 = vector.broadcast %mul3A_479 : f32 to vector<16xf32>
        %mul3A_481 = arith.mulf %get3A_478, %mul3A_480 : vector<16xf32>
        %swap3A_482 = arith.constant 2 : i32
        %swap3A_483 = arith.index_cast %swap3A_482 : i32 to index
        %swap3A_484 = arith.index_cast %scan3A_297 : i32 to index
        %swap3A_485 = arith.constant 48 : index
        %swap3A_486 = tpu.vector_load %arg6[%swap3A_483, %swap3A_484, %swap3A_485] {strides = array<i32>} : memref<4x200x64xf32, #tpu.memory_space<vmem>>, vector<1x1x16xf32>,
        %swap3A_487 = vector.shape_cast %swap3A_486 : vector<1x1x16xf32> to vector<16xf32>
        %swap3A_488 = vector.shape_cast %mul3A_481 : vector<16xf32> to vector<1x1x16xf32>
        tpu.vector_store %arg6[%swap3A_483, %swap3A_484, %swap3A_485], %swap3A_488 {strides = array<i32>} : memref<4x200x64xf32, #tpu.memory_space<vmem>>, vector<1x1x16xf32>,
        %get3A_489 = arith.constant 3 : i32
        %get3A_490 = arith.index_cast %get3A_489 : i32 to index
        %get3A_491 = arith.index_cast %scan3A_297 : i32 to index
        %get3A_492 = arith.constant 0 : index
        %get3A_493 = tpu.vector_load %arg6[%get3A_490, %get3A_491, %get3A_492] {strides = array<i32>} : memref<4x200x64xf32, #tpu.memory_space<vmem>>, vector<1x1x16xf32>,
        %get3A_494 = vector.shape_cast %get3A_493 : vector<1x1x16xf32> to vector<16xf32>
        %mul3A_495 = arith.constant 8.000000e+00 : f32
        %mul3A_496 = vector.broadcast %mul3A_495 : f32 to vector<16xf32>
        %mul3A_497 = arith.mulf %get3A_494, %mul3A_496 : vector<16xf32>
        %swap3A_498 = arith.constant 3 : i32
        %swap3A_499 = arith.index_cast %swap3A_498 : i32 to index
        %swap3A_500 = arith.index_cast %scan3A_297 : i32 to index
        %swap3A_501 = arith.constant 0 : index
        %swap3A_502 = tpu.vector_load %arg6[%swap3A_499, %swap3A_500, %swap3A_501] {strides = array<i32>} : memref<4x200x64xf32, #tpu.memory_space<vmem>>, vector<1x1x16xf32>,
        %swap3A_503 = vector.shape_cast %swap3A_502 : vector<1x1x16xf32> to vector<16xf32>
        %swap3A_504 = vector.shape_cast %mul3A_497 : vector<16xf32> to vector<1x1x16xf32>
        tpu.vector_store %arg6[%swap3A_499, %swap3A_500, %swap3A_501], %swap3A_504 {strides = array<i32>} : memref<4x200x64xf32, #tpu.memory_space<vmem>>, vector<1x1x16xf32>,
        %get3A_505 = arith.constant 3 : i32
        %get3A_506 = arith.index_cast %get3A_505 : i32 to index
        %get3A_507 = arith.index_cast %scan3A_297 : i32 to index
        %get3A_508 = arith.constant 16 : index
        %get3A_509 = tpu.vector_load %arg6[%get3A_506, %get3A_507, %get3A_508] {strides = array<i32>} : memref<4x200x64xf32, #tpu.memory_space<vmem>>, vector<1x1x16xf32>,
        %get3A_510 = vector.shape_cast %get3A_509 : vector<1x1x16xf32> to vector<16xf32>
        %mul3A_511 = arith.constant 8.000000e+00 : f32
        %mul3A_512 = vector.broadcast %mul3A_511 : f32 to vector<16xf32>
        %mul3A_513 = arith.mulf %get3A_510, %mul3A_512 : vector<16xf32>
        %swap3A_514 = arith.constant 3 : i32
        %swap3A_515 = arith.index_cast %swap3A_514 : i32 to index
        %swap3A_516 = arith.index_cast %scan3A_297 : i32 to index
        %swap3A_517 = arith.constant 16 : index
        %swap3A_518 = tpu.vector_load %arg6[%swap3A_515, %swap3A_516, %swap3A_517] {strides = array<i32>} : memref<4x200x64xf32, #tpu.memory_space<vmem>>, vector<1x1x16xf32>,
        %swap3A_519 = vector.shape_cast %swap3A_518 : vector<1x1x16xf32> to vector<16xf32>
        %swap3A_520 = vector.shape_cast %mul3A_513 : vector<16xf32> to vector<1x1x16xf32>
        tpu.vector_store %arg6[%swap3A_515, %swap3A_516, %swap3A_517], %swap3A_520 {strides = array<i32>} : memref<4x200x64xf32, #tpu.memory_space<vmem>>, vector<1x1x16xf32>,
        %get3A_521 = arith.constant 3 : i32
        %get3A_522 = arith.index_cast %get3A_521 : i32 to index
        %get3A_523 = arith.index_cast %scan3A_297 : i32 to index
        %get3A_524 = arith.constant 32 : index
        %get3A_525 = tpu.vector_load %arg6[%get3A_522, %get3A_523, %get3A_524] {strides = array<i32>} : memref<4x200x64xf32, #tpu.memory_space<vmem>>, vector<1x1x16xf32>,
        %get3A_526 = vector.shape_cast %get3A_525 : vector<1x1x16xf32> to vector<16xf32>
        %mul3A_527 = arith.constant 8.000000e+00 : f32
        %mul3A_528 = vector.broadcast %mul3A_527 : f32 to vector<16xf32>
        %mul3A_529 = arith.mulf %get3A_526, %mul3A_528 : vector<16xf32>
        %swap3A_530 = arith.constant 3 : i32
        %swap3A_531 = arith.index_cast %swap3A_530 : i32 to index
        %swap3A_532 = arith.index_cast %scan3A_297 : i32 to index
        %swap3A_533 = arith.constant 32 : index
        %swap3A_534 = tpu.vector_load %arg6[%swap3A_531, %swap3A_532, %swap3A_533] {strides = array<i32>} : memref<4x200x64xf32, #tpu.memory_space<vmem>>, vector<1x1x16xf32>,
        %swap3A_535 = vector.shape_cast %swap3A_534 : vector<1x1x16xf32> to vector<16xf32>
        %swap3A_536 = vector.shape_cast %mul3A_529 : vector<16xf32> to vector<1x1x16xf32>
        tpu.vector_store %arg6[%swap3A_531, %swap3A_532, %swap3A_533], %swap3A_536 {strides = array<i32>} : memref<4x200x64xf32, #tpu.memory_space<vmem>>, vector<1x1x16xf32>,
        %get3A_537 = arith.constant 3 : i32
        %get3A_538 = arith.index_cast %get3A_537 : i32 to index
        %get3A_539 = arith.index_cast %scan3A_297 : i32 to index
        %get3A_540 = arith.constant 48 : index
        %get3A_541 = tpu.vector_load %arg6[%get3A_538, %get3A_539, %get3A_540] {strides = array<i32>} : memref<4x200x64xf32, #tpu.memory_space<vmem>>, vector<1x1x16xf32>,
        %get3A_542 = vector.shape_cast %get3A_541 : vector<1x1x16xf32> to vector<16xf32>
        %mul3A_543 = arith.constant 8.000000e+00 : f32
        %mul3A_544 = vector.broadcast %mul3A_543 : f32 to vector<16xf32>
        %mul3A_545 = arith.mulf %get3A_542, %mul3A_544 : vector<16xf32>
        %swap3A_546 = arith.constant 3 : i32
        %swap3A_547 = arith.index_cast %swap3A_546 : i32 to index
        %swap3A_548 = arith.index_cast %scan3A_297 : i32 to index
        %swap3A_549 = arith.constant 48 : index
        %swap3A_550 = tpu.vector_load %arg6[%swap3A_547, %swap3A_548, %swap3A_549] {strides = array<i32>} : memref<4x200x64xf32, #tpu.memory_space<vmem>>, vector<1x1x16xf32>,
        %swap3A_551 = vector.shape_cast %swap3A_550 : vector<1x1x16xf32> to vector<16xf32>
        %swap3A_552 = vector.shape_cast %mul3A_545 : vector<16xf32> to vector<1x1x16xf32>
        tpu.vector_store %arg6[%swap3A_547, %swap3A_548, %swap3A_549], %swap3A_552 {strides = array<i32>} : memref<4x200x64xf32, #tpu.memory_space<vmem>>, vector<1x1x16xf32>,
        %scan3A_553 = arith.constant 0 : i32
        scf.yield %scan3A_553 : i32
      }
      %scan3A_197 = arith.constant 200 : i32
      %mul3A_198 = arith.constant 4 : i32
      %mul3A_199 = arith.muli %mul3A_66, %mul3A_198 : i32
      %add3A_200 = arith.addi %mul3A_2, %mul3A_199 : i32
      %dma_start3A_201 = arith.constant 0 : i32
      %dma_start3A_202 = arith.constant 0 : i32
      %dma_start3A_203 = tpu.memref_slice %arg4[%add3A_200, %dma_start3A_201, %dma_start3A_202] : memref<4096x200x64xf32, #tpu.memory_space<hbm>> -> memref<4x200x64xf32, #tpu.memory_space<hbm>>
      %dma_start3A_204 = arith.constant 0 : i32
      %dma_start3A_205 = arith.constant 0 : i32
      %dma_start3A_206 = tpu.memref_slice %arg4[%add3A_200, %dma_start3A_204, %dma_start3A_205] : memref<4096x200x64xf32, #tpu.memory_space<hbm>> -> memref<4x200x64xf32, #tpu.memory_space<hbm>>
      tpu.enqueue_dma source(%arg6 : memref<4x200x64xf32, #tpu.memory_space<vmem>>) target(%dma_start3A_206 : memref<4x200x64xf32, #tpu.memory_space<hbm>>) target_semaphore(%arg10 : memref<!tpu.dma_semaphore, #tpu.memory_space<semaphore_mem>>)
      %mul3A_207 = arith.constant 4 : i32
      %mul3A_208 = arith.muli %add3A_68, %mul3A_207 : i32
      %add3A_209 = arith.constant 0 : i32
      %add3A_210 = arith.addi %mul3A_208, %add3A_209 : i32
      %dma_wait3A_211 = arith.constant 0 : i32
      %dma_wait3A_212 = arith.constant 0 : i32
      %dma_wait3A_213 = arith.constant 0 : i32
      %dma_wait3A_214 = tpu.memref_slice %arg7[%dma_wait3A_211, %dma_wait3A_212, %dma_wait3A_213] : memref<4x200x64xf32, #tpu.memory_space<vmem>> -> memref<1x200x64xf32, #tpu.memory_space<vmem>>
      %dma_wait3A_215 = tpu.memref_squeeze %dma_wait3A_214 : memref<1x200x64xf32, #tpu.memory_space<vmem>> -> memref<200x64xf32, #tpu.memory_space<vmem>>
      %dma_wait3A_216 = arith.constant 0 : i32
      %dma_wait3A_217 = tpu.memref_slice %arg5[%add3A_210, %dma_wait3A_216] : memref<128x200xi32, #tpu.memory_space<vmem>> -> memref<1x200xi32, #tpu.memory_space<vmem>>
      %dma_wait3A_218 = tpu.memref_squeeze %dma_wait3A_217 : memref<1x200xi32, #tpu.memory_space<vmem>> -> memref<200xi32, #tpu.memory_space<vmem>>
      %dma_wait3A_219 = arith.constant 0 : i32
      %dma_wait3A_220 = arith.constant 0 : i32
      %dma_wait3A_221 = tpu.memref_slice %arg3[%dma_wait3A_219, %dma_wait3A_220] : memref<1000000x64xf32, #tpu.memory_space<hbm>> -> memref<1000000x64xf32, #tpu.memory_space<hbm>>
      tpu.wait_indirect_dma semaphore(%arg9 : memref<!tpu.dma_semaphore, #tpu.memory_space<semaphore_mem>>) src(%dma_wait3A_221 : memref<1000000x64xf32, #tpu.memory_space<hbm>>) dst(%dma_wait3A_215 : memref<200x64xf32, #tpu.memory_space<vmem>>)
      %mul3A_222 = arith.constant 4 : i32
      %mul3A_223 = arith.muli %add3A_68, %mul3A_222 : i32
      %add3A_224 = arith.constant 1 : i32
      %add3A_225 = arith.addi %mul3A_223, %add3A_224 : i32
      %dma_wait3A_226 = arith.constant 1 : i32
      %dma_wait3A_227 = arith.constant 0 : i32
      %dma_wait3A_228 = arith.constant 0 : i32
      %dma_wait3A_229 = tpu.memref_slice %arg7[%dma_wait3A_226, %dma_wait3A_227, %dma_wait3A_228] : memref<4x200x64xf32, #tpu.memory_space<vmem>> -> memref<1x200x64xf32, #tpu.memory_space<vmem>>
      %dma_wait3A_230 = tpu.memref_squeeze %dma_wait3A_229 : memref<1x200x64xf32, #tpu.memory_space<vmem>> -> memref<200x64xf32, #tpu.memory_space<vmem>>
      %dma_wait3A_231 = arith.constant 0 : i32
      %dma_wait3A_232 = tpu.memref_slice %arg5[%add3A_225, %dma_wait3A_231] : memref<128x200xi32, #tpu.memory_space<vmem>> -> memref<1x200xi32, #tpu.memory_space<vmem>>
      %dma_wait3A_233 = tpu.memref_squeeze %dma_wait3A_232 : memref<1x200xi32, #tpu.memory_space<vmem>> -> memref<200xi32, #tpu.memory_space<vmem>>
      %dma_wait3A_234 = arith.constant 0 : i32
      %dma_wait3A_235 = arith.constant 0 : i32
      %dma_wait3A_236 = tpu.memref_slice %arg3[%dma_wait3A_234, %dma_wait3A_235] : memref<1000000x64xf32, #tpu.memory_space<hbm>> -> memref<1000000x64xf32, #tpu.memory_space<hbm>>
      tpu.wait_indirect_dma semaphore(%arg9 : memref<!tpu.dma_semaphore, #tpu.memory_space<semaphore_mem>>) src(%dma_wait3A_236 : memref<1000000x64xf32, #tpu.memory_space<hbm>>) dst(%dma_wait3A_230 : memref<200x64xf32, #tpu.memory_space<vmem>>)
      %mul3A_237 = arith.constant 4 : i32
      %mul3A_238 = arith.muli %add3A_68, %mul3A_237 : i32
      %add3A_239 = arith.constant 2 : i32
      %add3A_240 = arith.addi %mul3A_238, %add3A_239 : i32
      %dma_wait3A_241 = arith.constant 2 : i32
      %dma_wait3A_242 = arith.constant 0 : i32
      %dma_wait3A_243 = arith.constant 0 : i32
      %dma_wait3A_244 = tpu.memref_slice %arg7[%dma_wait3A_241, %dma_wait3A_242, %dma_wait3A_243] : memref<4x200x64xf32, #tpu.memory_space<vmem>> -> memref<1x200x64xf32, #tpu.memory_space<vmem>>
      %dma_wait3A_245 = tpu.memref_squeeze %dma_wait3A_244 : memref<1x200x64xf32, #tpu.memory_space<vmem>> -> memref<200x64xf32, #tpu.memory_space<vmem>>
      %dma_wait3A_246 = arith.constant 0 : i32
      %dma_wait3A_247 = tpu.memref_slice %arg5[%add3A_240, %dma_wait3A_246] : memref<128x200xi32, #tpu.memory_space<vmem>> -> memref<1x200xi32, #tpu.memory_space<vmem>>
      %dma_wait3A_248 = tpu.memref_squeeze %dma_wait3A_247 : memref<1x200xi32, #tpu.memory_space<vmem>> -> memref<200xi32, #tpu.memory_space<vmem>>
      %dma_wait3A_249 = arith.constant 0 : i32
      %dma_wait3A_250 = arith.constant 0 : i32
      %dma_wait3A_251 = tpu.memref_slice %arg3[%dma_wait3A_249, %dma_wait3A_250] : memref<1000000x64xf32, #tpu.memory_space<hbm>> -> memref<1000000x64xf32, #tpu.memory_space<hbm>>
      tpu.wait_indirect_dma semaphore(%arg9 : memref<!tpu.dma_semaphore, #tpu.memory_space<semaphore_mem>>) src(%dma_wait3A_251 : memref<1000000x64xf32, #tpu.memory_space<hbm>>) dst(%dma_wait3A_245 : memref<200x64xf32, #tpu.memory_space<vmem>>)
      %mul3A_252 = arith.constant 4 : i32
      %mul3A_253 = arith.muli %add3A_68, %mul3A_252 : i32
      %add3A_254 = arith.constant 3 : i32
      %add3A_255 = arith.addi %mul3A_253, %add3A_254 : i32
      %dma_wait3A_256 = arith.constant 3 : i32
      %dma_wait3A_257 = arith.constant 0 : i32
      %dma_wait3A_258 = arith.constant 0 : i32
      %dma_wait3A_259 = tpu.memref_slice %arg7[%dma_wait3A_256, %dma_wait3A_257, %dma_wait3A_258] : memref<4x200x64xf32, #tpu.memory_space<vmem>> -> memref<1x200x64xf32, #tpu.memory_space<vmem>>
      %dma_wait3A_260 = tpu.memref_squeeze %dma_wait3A_259 : memref<1x200x64xf32, #tpu.memory_space<vmem>> -> memref<200x64xf32, #tpu.memory_space<vmem>>
      %dma_wait3A_261 = arith.constant 0 : i32
      %dma_wait3A_262 = tpu.memref_slice %arg5[%add3A_255, %dma_wait3A_261] : memref<128x200xi32, #tpu.memory_space<vmem>> -> memref<1x200xi32, #tpu.memory_space<vmem>>
      %dma_wait3A_263 = tpu.memref_squeeze %dma_wait3A_262 : memref<1x200xi32, #tpu.memory_space<vmem>> -> memref<200xi32, #tpu.memory_space<vmem>>
      %dma_wait3A_264 = arith.constant 0 : i32
      %dma_wait3A_265 = arith.constant 0 : i32
      %dma_wait3A_266 = tpu.memref_slice %arg3[%dma_wait3A_264, %dma_wait3A_265] : memref<1000000x64xf32, #tpu.memory_space<hbm>> -> memref<1000000x64xf32, #tpu.memory_space<hbm>>
      tpu.wait_indirect_dma semaphore(%arg9 : memref<!tpu.dma_semaphore, #tpu.memory_space<semaphore_mem>>) src(%dma_wait3A_266 : memref<1000000x64xf32, #tpu.memory_space<hbm>>) dst(%dma_wait3A_260 : memref<200x64xf32, #tpu.memory_space<vmem>>)
      %mul3A_267 = arith.constant 4 : i32
      %mul3A_268 = arith.muli %mul3A_66, %mul3A_267 : i32
      %add3A_269 = arith.addi %mul3A_2, %mul3A_268 : i32
      %dma_wait3A_270 = arith.constant 0 : i32
      %dma_wait3A_271 = arith.constant 0 : i32
      %dma_wait3A_272 = tpu.memref_slice %arg4[%add3A_269, %dma_wait3A_270, %dma_wait3A_271] : memref<4096x200x64xf32, #tpu.memory_space<hbm>> -> memref<4x200x64xf32, #tpu.memory_space<hbm>>
      %dma_wait3A_273 = arith.constant 0 : i32
      %dma_wait3A_274 = arith.constant 0 : i32
      %dma_wait3A_275 = tpu.memref_slice %arg4[%add3A_269, %dma_wait3A_273, %dma_wait3A_274] : memref<4096x200x64xf32, #tpu.memory_space<hbm>> -> memref<4x200x64xf32, #tpu.memory_space<hbm>>
      tpu.wait_dma2 semaphore(%arg10 : memref<!tpu.dma_semaphore, #tpu.memory_space<semaphore_mem>>) src(%arg6 : memref<4x200x64xf32, #tpu.memory_space<vmem>>) dst(%dma_wait3A_275 : memref<4x200x64xf32, #tpu.memory_space<hbm>>)
      %lt3A = arith.constant 15 : i32
      %lt3A_276 = arith.cmpi slt, %scan3A_63, %lt3A : i32
      %convert_element_type3A_277 = arith.extui %lt3A_276 : i1 to i32
      %cond3A_278 = arith.constant 0 : i32
      %cond3A_279 = arith.cmpi ne, %convert_element_type3A_277, %cond3A_278 : i32
      scf.if %cond3A_279 {
        %add3A_297 = arith.constant 2 : i32
        %add3A_298 = arith.addi %mul3A_66, %add3A_297 : i32
        %mul3A_299 = arith.constant 4 : i32
        %mul3A_300 = arith.muli %add3A_298, %mul3A_299 : i32
        %add3A_301 = arith.constant 0 : i32
        %add3A_302 = arith.addi %mul3A_300, %add3A_301 : i32
        %dma_start3A_303 = arith.constant 0 : i32
        %dma_start3A_304 = arith.constant 0 : i32
        %dma_start3A_305 = arith.constant 0 : i32
        %dma_start3A_306 = tpu.memref_slice %arg6[%dma_start3A_303, %dma_start3A_304, %dma_start3A_305] : memref<4x200x64xf32, #tpu.memory_space<vmem>> -> memref<1x200x64xf32, #tpu.memory_space<vmem>>
        %dma_start3A_307 = tpu.memref_squeeze %dma_start3A_306 : memref<1x200x64xf32, #tpu.memory_space<vmem>> -> memref<200x64xf32, #tpu.memory_space<vmem>>
        %dma_start3A_308 = arith.constant 0 : i32
        %dma_start3A_309 = tpu.memref_slice %arg5[%add3A_302, %dma_start3A_308] : memref<128x200xi32, #tpu.memory_space<vmem>> -> memref<1x200xi32, #tpu.memory_space<vmem>>
        %dma_start3A_310 = tpu.memref_squeeze %dma_start3A_309 : memref<1x200xi32, #tpu.memory_space<vmem>> -> memref<200xi32, #tpu.memory_space<vmem>>
        %dma_start3A_311 = arith.constant 0 : i32
        %dma_start3A_312 = arith.constant 0 : i32
        %dma_start3A_313 = tpu.memref_slice %arg3[%dma_start3A_311, %dma_start3A_312] : memref<1000000x64xf32, #tpu.memory_space<hbm>> -> memref<1000000x64xf32, #tpu.memory_space<hbm>>
        tpu.enqueue_indirect_dma source(%dma_start3A_313 : memref<1000000x64xf32, #tpu.memory_space<hbm>>) target(%dma_start3A_307 : memref<200x64xf32, #tpu.memory_space<vmem>>) offsets(%dma_start3A_310 : memref<200xi32, #tpu.memory_space<vmem>>) semaphore(%arg8 : memref<!tpu.dma_semaphore, #tpu.memory_space<semaphore_mem>>)
        %mul3A_314 = arith.constant 4 : i32
        %mul3A_315 = arith.muli %add3A_298, %mul3A_314 : i32
        %add3A_316 = arith.constant 1 : i32
        %add3A_317 = arith.addi %mul3A_315, %add3A_316 : i32
        %dma_start3A_318 = arith.constant 1 : i32
        %dma_start3A_319 = arith.constant 0 : i32
        %dma_start3A_320 = arith.constant 0 : i32
        %dma_start3A_321 = tpu.memref_slice %arg6[%dma_start3A_318, %dma_start3A_319, %dma_start3A_320] : memref<4x200x64xf32, #tpu.memory_space<vmem>> -> memref<1x200x64xf32, #tpu.memory_space<vmem>>
        %dma_start3A_322 = tpu.memref_squeeze %dma_start3A_321 : memref<1x200x64xf32, #tpu.memory_space<vmem>> -> memref<200x64xf32, #tpu.memory_space<vmem>>
        %dma_start3A_323 = arith.constant 0 : i32
        %dma_start3A_324 = tpu.memref_slice %arg5[%add3A_317, %dma_start3A_323] : memref<128x200xi32, #tpu.memory_space<vmem>> -> memref<1x200xi32, #tpu.memory_space<vmem>>
        %dma_start3A_325 = tpu.memref_squeeze %dma_start3A_324 : memref<1x200xi32, #tpu.memory_space<vmem>> -> memref<200xi32, #tpu.memory_space<vmem>>
        %dma_start3A_326 = arith.constant 0 : i32
        %dma_start3A_327 = arith.constant 0 : i32
        %dma_start3A_328 = tpu.memref_slice %arg3[%dma_start3A_326, %dma_start3A_327] : memref<1000000x64xf32, #tpu.memory_space<hbm>> -> memref<1000000x64xf32, #tpu.memory_space<hbm>>
        tpu.enqueue_indirect_dma source(%dma_start3A_328 : memref<1000000x64xf32, #tpu.memory_space<hbm>>) target(%dma_start3A_322 : memref<200x64xf32, #tpu.memory_space<vmem>>) offsets(%dma_start3A_325 : memref<200xi32, #tpu.memory_space<vmem>>) semaphore(%arg8 : memref<!tpu.dma_semaphore, #tpu.memory_space<semaphore_mem>>)
        %mul3A_329 = arith.constant 4 : i32
        %mul3A_330 = arith.muli %add3A_298, %mul3A_329 : i32
        %add3A_331 = arith.constant 2 : i32
        %add3A_332 = arith.addi %mul3A_330, %add3A_331 : i32
        %dma_start3A_333 = arith.constant 2 : i32
        %dma_start3A_334 = arith.constant 0 : i32
        %dma_start3A_335 = arith.constant 0 : i32
        %dma_start3A_336 = tpu.memref_slice %arg6[%dma_start3A_333, %dma_start3A_334, %dma_start3A_335] : memref<4x200x64xf32, #tpu.memory_space<vmem>> -> memref<1x200x64xf32, #tpu.memory_space<vmem>>
        %dma_start3A_337 = tpu.memref_squeeze %dma_start3A_336 : memref<1x200x64xf32, #tpu.memory_space<vmem>> -> memref<200x64xf32, #tpu.memory_space<vmem>>
        %dma_start3A_338 = arith.constant 0 : i32
        %dma_start3A_339 = tpu.memref_slice %arg5[%add3A_332, %dma_start3A_338] : memref<128x200xi32, #tpu.memory_space<vmem>> -> memref<1x200xi32, #tpu.memory_space<vmem>>
        %dma_start3A_340 = tpu.memref_squeeze %dma_start3A_339 : memref<1x200xi32, #tpu.memory_space<vmem>> -> memref<200xi32, #tpu.memory_space<vmem>>
        %dma_start3A_341 = arith.constant 0 : i32
        %dma_start3A_342 = arith.constant 0 : i32
        %dma_start3A_343 = tpu.memref_slice %arg3[%dma_start3A_341, %dma_start3A_342] : memref<1000000x64xf32, #tpu.memory_space<hbm>> -> memref<1000000x64xf32, #tpu.memory_space<hbm>>
        tpu.enqueue_indirect_dma source(%dma_start3A_343 : memref<1000000x64xf32, #tpu.memory_space<hbm>>) target(%dma_start3A_337 : memref<200x64xf32, #tpu.memory_space<vmem>>) offsets(%dma_start3A_340 : memref<200xi32, #tpu.memory_space<vmem>>) semaphore(%arg8 : memref<!tpu.dma_semaphore, #tpu.memory_space<semaphore_mem>>)
        %mul3A_344 = arith.constant 4 : i32
        %mul3A_345 = arith.muli %add3A_298, %mul3A_344 : i32
        %add3A_346 = arith.constant 3 : i32
        %add3A_347 = arith.addi %mul3A_345, %add3A_346 : i32
        %dma_start3A_348 = arith.constant 3 : i32
        %dma_start3A_349 = arith.constant 0 : i32
        %dma_start3A_350 = arith.constant 0 : i32
        %dma_start3A_351 = tpu.memref_slice %arg6[%dma_start3A_348, %dma_start3A_349, %dma_start3A_350] : memref<4x200x64xf32, #tpu.memory_space<vmem>> -> memref<1x200x64xf32, #tpu.memory_space<vmem>>
        %dma_start3A_352 = tpu.memref_squeeze %dma_start3A_351 : memref<1x200x64xf32, #tpu.memory_space<vmem>> -> memref<200x64xf32, #tpu.memory_space<vmem>>
        %dma_start3A_353 = arith.constant 0 : i32
        %dma_start3A_354 = tpu.memref_slice %arg5[%add3A_347, %dma_start3A_353] : memref<128x200xi32, #tpu.memory_space<vmem>> -> memref<1x200xi32, #tpu.memory_space<vmem>>
        %dma_start3A_355 = tpu.memref_squeeze %dma_start3A_354 : memref<1x200xi32, #tpu.memory_space<vmem>> -> memref<200xi32, #tpu.memory_space<vmem>>
        %dma_start3A_356 = arith.constant 0 : i32
        %dma_start3A_357 = arith.constant 0 : i32
        %dma_start3A_358 = tpu.memref_slice %arg3[%dma_start3A_356, %dma_start3A_357] : memref<1000000x64xf32, #tpu.memory_space<hbm>> -> memref<1000000x64xf32, #tpu.memory_space<hbm>>
        tpu.enqueue_indirect_dma source(%dma_start3A_358 : memref<1000000x64xf32, #tpu.memory_space<hbm>>) target(%dma_start3A_352 : memref<200x64xf32, #tpu.memory_space<vmem>>) offsets(%dma_start3A_355 : memref<200xi32, #tpu.memory_space<vmem>>) semaphore(%arg8 : memref<!tpu.dma_semaphore, #tpu.memory_space<semaphore_mem>>)
      } else {
      }
      %scan3A_280 = arith.constant 0 : i32
      %scan3A_281 = arith.constant 0 : i32
      %scan3A_282 = arith.constant 200 : i32
      %scan3A_283 = arith.addi %scan3A_281, %scan3A_282 : i32
      %scan3A_284 = arith.constant 1 : i32
      %scan3A_285 = scf.for %scan3A_297 = %scan3A_281 to %scan3A_283 step %scan3A_284 iter_args(%scan3A_298 = %scan3A_280) -> (i32)  : i32 {
        %get3A = arith.constant 0 : i32
        %get3A_299 = arith.index_cast %get3A : i32 to index
        %get3A_300 = arith.index_cast %scan3A_297 : i32 to index
        %get3A_301 = arith.constant 0 : index
        %get3A_302 = tpu.vector_load %arg7[%get3A_299, %get3A_300, %get3A_301] {strides = array<i32>} : memref<4x200x64xf32, #tpu.memory_space<vmem>>, vector<1x1x16xf32>,
        %get3A_303 = vector.shape_cast %get3A_302 : vector<1x1x16xf32> to vector<16xf32>
        %mul3A_304 = arith.constant 8.000000e+00 : f32
        %mul3A_305 = vector.broadcast %mul3A_304 : f32 to vector<16xf32>
        %mul3A_306 = arith.mulf %get3A_303, %mul3A_305 : vector<16xf32>
        %swap3A = arith.constant 0 : i32
        %swap3A_307 = arith.index_cast %swap3A : i32 to index
        %swap3A_308 = arith.index_cast %scan3A_297 : i32 to index
        %swap3A_309 = arith.constant 0 : index
        %swap3A_310 = tpu.vector_load %arg7[%swap3A_307, %swap3A_308, %swap3A_309] {strides = array<i32>} : memref<4x200x64xf32, #tpu.memory_space<vmem>>, vector<1x1x16xf32>,
        %swap3A_311 = vector.shape_cast %swap3A_310 : vector<1x1x16xf32> to vector<16xf32>
        %swap3A_312 = vector.shape_cast %mul3A_306 : vector<16xf32> to vector<1x1x16xf32>
        tpu.vector_store %arg7[%swap3A_307, %swap3A_308, %swap3A_309], %swap3A_312 {strides = array<i32>} : memref<4x200x64xf32, #tpu.memory_space<vmem>>, vector<1x1x16xf32>,
        %get3A_313 = arith.constant 0 : i32
        %get3A_314 = arith.index_cast %get3A_313 : i32 to index
        %get3A_315 = arith.index_cast %scan3A_297 : i32 to index
        %get3A_316 = arith.constant 16 : index
        %get3A_317 = tpu.vector_load %arg7[%get3A_314, %get3A_315, %get3A_316] {strides = array<i32>} : memref<4x200x64xf32, #tpu.memory_space<vmem>>, vector<1x1x16xf32>,
        %get3A_318 = vector.shape_cast %get3A_317 : vector<1x1x16xf32> to vector<16xf32>
        %mul3A_319 = arith.constant 8.000000e+00 : f32
        %mul3A_320 = vector.broadcast %mul3A_319 : f32 to vector<16xf32>
        %mul3A_321 = arith.mulf %get3A_318, %mul3A_320 : vector<16xf32>
        %swap3A_322 = arith.constant 0 : i32
        %swap3A_323 = arith.index_cast %swap3A_322 : i32 to index
        %swap3A_324 = arith.index_cast %scan3A_297 : i32 to index
        %swap3A_325 = arith.constant 16 : index
        %swap3A_326 = tpu.vector_load %arg7[%swap3A_323, %swap3A_324, %swap3A_325] {strides = array<i32>} : memref<4x200x64xf32, #tpu.memory_space<vmem>>, vector<1x1x16xf32>,
        %swap3A_327 = vector.shape_cast %swap3A_326 : vector<1x1x16xf32> to vector<16xf32>
        %swap3A_328 = vector.shape_cast %mul3A_321 : vector<16xf32> to vector<1x1x16xf32>
        tpu.vector_store %arg7[%swap3A_323, %swap3A_324, %swap3A_325], %swap3A_328 {strides = array<i32>} : memref<4x200x64xf32, #tpu.memory_space<vmem>>, vector<1x1x16xf32>,
        %get3A_329 = arith.constant 0 : i32
        %get3A_330 = arith.index_cast %get3A_329 : i32 to index
        %get3A_331 = arith.index_cast %scan3A_297 : i32 to index
        %get3A_332 = arith.constant 32 : index
        %get3A_333 = tpu.vector_load %arg7[%get3A_330, %get3A_331, %get3A_332] {strides = array<i32>} : memref<4x200x64xf32, #tpu.memory_space<vmem>>, vector<1x1x16xf32>,
        %get3A_334 = vector.shape_cast %get3A_333 : vector<1x1x16xf32> to vector<16xf32>
        %mul3A_335 = arith.constant 8.000000e+00 : f32
        %mul3A_336 = vector.broadcast %mul3A_335 : f32 to vector<16xf32>
        %mul3A_337 = arith.mulf %get3A_334, %mul3A_336 : vector<16xf32>
        %swap3A_338 = arith.constant 0 : i32
        %swap3A_339 = arith.index_cast %swap3A_338 : i32 to index
        %swap3A_340 = arith.index_cast %scan3A_297 : i32 to index
        %swap3A_341 = arith.constant 32 : index
        %swap3A_342 = tpu.vector_load %arg7[%swap3A_339, %swap3A_340, %swap3A_341] {strides = array<i32>} : memref<4x200x64xf32, #tpu.memory_space<vmem>>, vector<1x1x16xf32>,
        %swap3A_343 = vector.shape_cast %swap3A_342 : vector<1x1x16xf32> to vector<16xf32>
        %swap3A_344 = vector.shape_cast %mul3A_337 : vector<16xf32> to vector<1x1x16xf32>
        tpu.vector_store %arg7[%swap3A_339, %swap3A_340, %swap3A_341], %swap3A_344 {strides = array<i32>} : memref<4x200x64xf32, #tpu.memory_space<vmem>>, vector<1x1x16xf32>,
        %get3A_345 = arith.constant 0 : i32
        %get3A_346 = arith.index_cast %get3A_345 : i32 to index
        %get3A_347 = arith.index_cast %scan3A_297 : i32 to index
        %get3A_348 = arith.constant 48 : index
        %get3A_349 = tpu.vector_load %arg7[%get3A_346, %get3A_347, %get3A_348] {strides = array<i32>} : memref<4x200x64xf32, #tpu.memory_space<vmem>>, vector<1x1x16xf32>,
        %get3A_350 = vector.shape_cast %get3A_349 : vector<1x1x16xf32> to vector<16xf32>
        %mul3A_351 = arith.constant 8.000000e+00 : f32
        %mul3A_352 = vector.broadcast %mul3A_351 : f32 to vector<16xf32>
        %mul3A_353 = arith.mulf %get3A_350, %mul3A_352 : vector<16xf32>
        %swap3A_354 = arith.constant 0 : i32
        %swap3A_355 = arith.index_cast %swap3A_354 : i32 to index
        %swap3A_356 = arith.index_cast %scan3A_297 : i32 to index
        %swap3A_357 = arith.constant 48 : index
        %swap3A_358 = tpu.vector_load %arg7[%swap3A_355, %swap3A_356, %swap3A_357] {strides = array<i32>} : memref<4x200x64xf32, #tpu.memory_space<vmem>>, vector<1x1x16xf32>,
        %swap3A_359 = vector.shape_cast %swap3A_358 : vector<1x1x16xf32> to vector<16xf32>
        %swap3A_360 = vector.shape_cast %mul3A_353 : vector<16xf32> to vector<1x1x16xf32>
        tpu.vector_store %arg7[%swap3A_355, %swap3A_356, %swap3A_357], %swap3A_360 {strides = array<i32>} : memref<4x200x64xf32, #tpu.memory_space<vmem>>, vector<1x1x16xf32>,
        %get3A_361 = arith.constant 1 : i32
        %get3A_362 = arith.index_cast %get3A_361 : i32 to index
        %get3A_363 = arith.index_cast %scan3A_297 : i32 to index
        %get3A_364 = arith.constant 0 : index
        %get3A_365 = tpu.vector_load %arg7[%get3A_362, %get3A_363, %get3A_364] {strides = array<i32>} : memref<4x200x64xf32, #tpu.memory_space<vmem>>, vector<1x1x16xf32>,
        %get3A_366 = vector.shape_cast %get3A_365 : vector<1x1x16xf32> to vector<16xf32>
        %mul3A_367 = arith.constant 8.000000e+00 : f32
        %mul3A_368 = vector.broadcast %mul3A_367 : f32 to vector<16xf32>
        %mul3A_369 = arith.mulf %get3A_366, %mul3A_368 : vector<16xf32>
        %swap3A_370 = arith.constant 1 : i32
        %swap3A_371 = arith.index_cast %swap3A_370 : i32 to index
        %swap3A_372 = arith.index_cast %scan3A_297 : i32 to index
        %swap3A_373 = arith.constant 0 : index
        %swap3A_374 = tpu.vector_load %arg7[%swap3A_371, %swap3A_372, %swap3A_373] {strides = array<i32>} : memref<4x200x64xf32, #tpu.memory_space<vmem>>, vector<1x1x16xf32>,
        %swap3A_375 = vector.shape_cast %swap3A_374 : vector<1x1x16xf32> to vector<16xf32>
        %swap3A_376 = vector.shape_cast %mul3A_369 : vector<16xf32> to vector<1x1x16xf32>
        tpu.vector_store %arg7[%swap3A_371, %swap3A_372, %swap3A_373], %swap3A_376 {strides = array<i32>} : memref<4x200x64xf32, #tpu.memory_space<vmem>>, vector<1x1x16xf32>,
        %get3A_377 = arith.constant 1 : i32
        %get3A_378 = arith.index_cast %get3A_377 : i32 to index
        %get3A_379 = arith.index_cast %scan3A_297 : i32 to index
        %get3A_380 = arith.constant 16 : index
        %get3A_381 = tpu.vector_load %arg7[%get3A_378, %get3A_379, %get3A_380] {strides = array<i32>} : memref<4x200x64xf32, #tpu.memory_space<vmem>>, vector<1x1x16xf32>,
        %get3A_382 = vector.shape_cast %get3A_381 : vector<1x1x16xf32> to vector<16xf32>
        %mul3A_383 = arith.constant 8.000000e+00 : f32
        %mul3A_384 = vector.broadcast %mul3A_383 : f32 to vector<16xf32>
        %mul3A_385 = arith.mulf %get3A_382, %mul3A_384 : vector<16xf32>
        %swap3A_386 = arith.constant 1 : i32
        %swap3A_387 = arith.index_cast %swap3A_386 : i32 to index
        %swap3A_388 = arith.index_cast %scan3A_297 : i32 to index
        %swap3A_389 = arith.constant 16 : index
        %swap3A_390 = tpu.vector_load %arg7[%swap3A_387, %swap3A_388, %swap3A_389] {strides = array<i32>} : memref<4x200x64xf32, #tpu.memory_space<vmem>>, vector<1x1x16xf32>,
        %swap3A_391 = vector.shape_cast %swap3A_390 : vector<1x1x16xf32> to vector<16xf32>
        %swap3A_392 = vector.shape_cast %mul3A_385 : vector<16xf32> to vector<1x1x16xf32>
        tpu.vector_store %arg7[%swap3A_387, %swap3A_388, %swap3A_389], %swap3A_392 {strides = array<i32>} : memref<4x200x64xf32, #tpu.memory_space<vmem>>, vector<1x1x16xf32>,
        %get3A_393 = arith.constant 1 : i32
        %get3A_394 = arith.index_cast %get3A_393 : i32 to index
        %get3A_395 = arith.index_cast %scan3A_297 : i32 to index
        %get3A_396 = arith.constant 32 : index
        %get3A_397 = tpu.vector_load %arg7[%get3A_394, %get3A_395, %get3A_396] {strides = array<i32>} : memref<4x200x64xf32, #tpu.memory_space<vmem>>, vector<1x1x16xf32>,
        %get3A_398 = vector.shape_cast %get3A_397 : vector<1x1x16xf32> to vector<16xf32>
        %mul3A_399 = arith.constant 8.000000e+00 : f32
        %mul3A_400 = vector.broadcast %mul3A_399 : f32 to vector<16xf32>
        %mul3A_401 = arith.mulf %get3A_398, %mul3A_400 : vector<16xf32>
        %swap3A_402 = arith.constant 1 : i32
        %swap3A_403 = arith.index_cast %swap3A_402 : i32 to index
        %swap3A_404 = arith.index_cast %scan3A_297 : i32 to index
        %swap3A_405 = arith.constant 32 : index
        %swap3A_406 = tpu.vector_load %arg7[%swap3A_403, %swap3A_404, %swap3A_405] {strides = array<i32>} : memref<4x200x64xf32, #tpu.memory_space<vmem>>, vector<1x1x16xf32>,
        %swap3A_407 = vector.shape_cast %swap3A_406 : vector<1x1x16xf32> to vector<16xf32>
        %swap3A_408 = vector.shape_cast %mul3A_401 : vector<16xf32> to vector<1x1x16xf32>
        tpu.vector_store %arg7[%swap3A_403, %swap3A_404, %swap3A_405], %swap3A_408 {strides = array<i32>} : memref<4x200x64xf32, #tpu.memory_space<vmem>>, vector<1x1x16xf32>,
        %get3A_409 = arith.constant 1 : i32
        %get3A_410 = arith.index_cast %get3A_409 : i32 to index
        %get3A_411 = arith.index_cast %scan3A_297 : i32 to index
        %get3A_412 = arith.constant 48 : index
        %get3A_413 = tpu.vector_load %arg7[%get3A_410, %get3A_411, %get3A_412] {strides = array<i32>} : memref<4x200x64xf32, #tpu.memory_space<vmem>>, vector<1x1x16xf32>,
        %get3A_414 = vector.shape_cast %get3A_413 : vector<1x1x16xf32> to vector<16xf32>
        %mul3A_415 = arith.constant 8.000000e+00 : f32
        %mul3A_416 = vector.broadcast %mul3A_415 : f32 to vector<16xf32>
        %mul3A_417 = arith.mulf %get3A_414, %mul3A_416 : vector<16xf32>
        %swap3A_418 = arith.constant 1 : i32
        %swap3A_419 = arith.index_cast %swap3A_418 : i32 to index
        %swap3A_420 = arith.index_cast %scan3A_297 : i32 to index
        %swap3A_421 = arith.constant 48 : index
        %swap3A_422 = tpu.vector_load %arg7[%swap3A_419, %swap3A_420, %swap3A_421] {strides = array<i32>} : memref<4x200x64xf32, #tpu.memory_space<vmem>>, vector<1x1x16xf32>,
        %swap3A_423 = vector.shape_cast %swap3A_422 : vector<1x1x16xf32> to vector<16xf32>
        %swap3A_424 = vector.shape_cast %mul3A_417 : vector<16xf32> to vector<1x1x16xf32>
        tpu.vector_store %arg7[%swap3A_419, %swap3A_420, %swap3A_421], %swap3A_424 {strides = array<i32>} : memref<4x200x64xf32, #tpu.memory_space<vmem>>, vector<1x1x16xf32>,
        %get3A_425 = arith.constant 2 : i32
        %get3A_426 = arith.index_cast %get3A_425 : i32 to index
        %get3A_427 = arith.index_cast %scan3A_297 : i32 to index
        %get3A_428 = arith.constant 0 : index
        %get3A_429 = tpu.vector_load %arg7[%get3A_426, %get3A_427, %get3A_428] {strides = array<i32>} : memref<4x200x64xf32, #tpu.memory_space<vmem>>, vector<1x1x16xf32>,
        %get3A_430 = vector.shape_cast %get3A_429 : vector<1x1x16xf32> to vector<16xf32>
        %mul3A_431 = arith.constant 8.000000e+00 : f32
        %mul3A_432 = vector.broadcast %mul3A_431 : f32 to vector<16xf32>
        %mul3A_433 = arith.mulf %get3A_430, %mul3A_432 : vector<16xf32>
        %swap3A_434 = arith.constant 2 : i32
        %swap3A_435 = arith.index_cast %swap3A_434 : i32 to index
        %swap3A_436 = arith.index_cast %scan3A_297 : i32 to index
        %swap3A_437 = arith.constant 0 : index
        %swap3A_438 = tpu.vector_load %arg7[%swap3A_435, %swap3A_436, %swap3A_437] {strides = array<i32>} : memref<4x200x64xf32, #tpu.memory_space<vmem>>, vector<1x1x16xf32>,
        %swap3A_439 = vector.shape_cast %swap3A_438 : vector<1x1x16xf32> to vector<16xf32>
        %swap3A_440 = vector.shape_cast %mul3A_433 : vector<16xf32> to vector<1x1x16xf32>
        tpu.vector_store %arg7[%swap3A_435, %swap3A_436, %swap3A_437], %swap3A_440 {strides = array<i32>} : memref<4x200x64xf32, #tpu.memory_space<vmem>>, vector<1x1x16xf32>,
        %get3A_441 = arith.constant 2 : i32
        %get3A_442 = arith.index_cast %get3A_441 : i32 to index
        %get3A_443 = arith.index_cast %scan3A_297 : i32 to index
        %get3A_444 = arith.constant 16 : index
        %get3A_445 = tpu.vector_load %arg7[%get3A_442, %get3A_443, %get3A_444] {strides = array<i32>} : memref<4x200x64xf32, #tpu.memory_space<vmem>>, vector<1x1x16xf32>,
        %get3A_446 = vector.shape_cast %get3A_445 : vector<1x1x16xf32> to vector<16xf32>
        %mul3A_447 = arith.constant 8.000000e+00 : f32
        %mul3A_448 = vector.broadcast %mul3A_447 : f32 to vector<16xf32>
        %mul3A_449 = arith.mulf %get3A_446, %mul3A_448 : vector<16xf32>
        %swap3A_450 = arith.constant 2 : i32
        %swap3A_451 = arith.index_cast %swap3A_450 : i32 to index
        %swap3A_452 = arith.index_cast %scan3A_297 : i32 to index
        %swap3A_453 = arith.constant 16 : index
        %swap3A_454 = tpu.vector_load %arg7[%swap3A_451, %swap3A_452, %swap3A_453] {strides = array<i32>} : memref<4x200x64xf32, #tpu.memory_space<vmem>>, vector<1x1x16xf32>,
        %swap3A_455 = vector.shape_cast %swap3A_454 : vector<1x1x16xf32> to vector<16xf32>
        %swap3A_456 = vector.shape_cast %mul3A_449 : vector<16xf32> to vector<1x1x16xf32>
        tpu.vector_store %arg7[%swap3A_451, %swap3A_452, %swap3A_453], %swap3A_456 {strides = array<i32>} : memref<4x200x64xf32, #tpu.memory_space<vmem>>, vector<1x1x16xf32>,
        %get3A_457 = arith.constant 2 : i32
        %get3A_458 = arith.index_cast %get3A_457 : i32 to index
        %get3A_459 = arith.index_cast %scan3A_297 : i32 to index
        %get3A_460 = arith.constant 32 : index
        %get3A_461 = tpu.vector_load %arg7[%get3A_458, %get3A_459, %get3A_460] {strides = array<i32>} : memref<4x200x64xf32, #tpu.memory_space<vmem>>, vector<1x1x16xf32>,
        %get3A_462 = vector.shape_cast %get3A_461 : vector<1x1x16xf32> to vector<16xf32>
        %mul3A_463 = arith.constant 8.000000e+00 : f32
        %mul3A_464 = vector.broadcast %mul3A_463 : f32 to vector<16xf32>
        %mul3A_465 = arith.mulf %get3A_462, %mul3A_464 : vector<16xf32>
        %swap3A_466 = arith.constant 2 : i32
        %swap3A_467 = arith.index_cast %swap3A_466 : i32 to index
        %swap3A_468 = arith.index_cast %scan3A_297 : i32 to index
        %swap3A_469 = arith.constant 32 : index
        %swap3A_470 = tpu.vector_load %arg7[%swap3A_467, %swap3A_468, %swap3A_469] {strides = array<i32>} : memref<4x200x64xf32, #tpu.memory_space<vmem>>, vector<1x1x16xf32>,
        %swap3A_471 = vector.shape_cast %swap3A_470 : vector<1x1x16xf32> to vector<16xf32>
        %swap3A_472 = vector.shape_cast %mul3A_465 : vector<16xf32> to vector<1x1x16xf32>
        tpu.vector_store %arg7[%swap3A_467, %swap3A_468, %swap3A_469], %swap3A_472 {strides = array<i32>} : memref<4x200x64xf32, #tpu.memory_space<vmem>>, vector<1x1x16xf32>,
        %get3A_473 = arith.constant 2 : i32
        %get3A_474 = arith.index_cast %get3A_473 : i32 to index
        %get3A_475 = arith.index_cast %scan3A_297 : i32 to index
        %get3A_476 = arith.constant 48 : index
        %get3A_477 = tpu.vector_load %arg7[%get3A_474, %get3A_475, %get3A_476] {strides = array<i32>} : memref<4x200x64xf32, #tpu.memory_space<vmem>>, vector<1x1x16xf32>,
        %get3A_478 = vector.shape_cast %get3A_477 : vector<1x1x16xf32> to vector<16xf32>
        %mul3A_479 = arith.constant 8.000000e+00 : f32
        %mul3A_480 = vector.broadcast %mul3A_479 : f32 to vector<16xf32>
        %mul3A_481 = arith.mulf %get3A_478, %mul3A_480 : vector<16xf32>
        %swap3A_482 = arith.constant 2 : i32
        %swap3A_483 = arith.index_cast %swap3A_482 : i32 to index
        %swap3A_484 = arith.index_cast %scan3A_297 : i32 to index
        %swap3A_485 = arith.constant 48 : index
        %swap3A_486 = tpu.vector_load %arg7[%swap3A_483, %swap3A_484, %swap3A_485] {strides = array<i32>} : memref<4x200x64xf32, #tpu.memory_space<vmem>>, vector<1x1x16xf32>,
        %swap3A_487 = vector.shape_cast %swap3A_486 : vector<1x1x16xf32> to vector<16xf32>
        %swap3A_488 = vector.shape_cast %mul3A_481 : vector<16xf32> to vector<1x1x16xf32>
        tpu.vector_store %arg7[%swap3A_483, %swap3A_484, %swap3A_485], %swap3A_488 {strides = array<i32>} : memref<4x200x64xf32, #tpu.memory_space<vmem>>, vector<1x1x16xf32>,
        %get3A_489 = arith.constant 3 : i32
        %get3A_490 = arith.index_cast %get3A_489 : i32 to index
        %get3A_491 = arith.index_cast %scan3A_297 : i32 to index
        %get3A_492 = arith.constant 0 : index
        %get3A_493 = tpu.vector_load %arg7[%get3A_490, %get3A_491, %get3A_492] {strides = array<i32>} : memref<4x200x64xf32, #tpu.memory_space<vmem>>, vector<1x1x16xf32>,
        %get3A_494 = vector.shape_cast %get3A_493 : vector<1x1x16xf32> to vector<16xf32>
        %mul3A_495 = arith.constant 8.000000e+00 : f32
        %mul3A_496 = vector.broadcast %mul3A_495 : f32 to vector<16xf32>
        %mul3A_497 = arith.mulf %get3A_494, %mul3A_496 : vector<16xf32>
        %swap3A_498 = arith.constant 3 : i32
        %swap3A_499 = arith.index_cast %swap3A_498 : i32 to index
        %swap3A_500 = arith.index_cast %scan3A_297 : i32 to index
        %swap3A_501 = arith.constant 0 : index
        %swap3A_502 = tpu.vector_load %arg7[%swap3A_499, %swap3A_500, %swap3A_501] {strides = array<i32>} : memref<4x200x64xf32, #tpu.memory_space<vmem>>, vector<1x1x16xf32>,
        %swap3A_503 = vector.shape_cast %swap3A_502 : vector<1x1x16xf32> to vector<16xf32>
        %swap3A_504 = vector.shape_cast %mul3A_497 : vector<16xf32> to vector<1x1x16xf32>
        tpu.vector_store %arg7[%swap3A_499, %swap3A_500, %swap3A_501], %swap3A_504 {strides = array<i32>} : memref<4x200x64xf32, #tpu.memory_space<vmem>>, vector<1x1x16xf32>,
        %get3A_505 = arith.constant 3 : i32
        %get3A_506 = arith.index_cast %get3A_505 : i32 to index
        %get3A_507 = arith.index_cast %scan3A_297 : i32 to index
        %get3A_508 = arith.constant 16 : index
        %get3A_509 = tpu.vector_load %arg7[%get3A_506, %get3A_507, %get3A_508] {strides = array<i32>} : memref<4x200x64xf32, #tpu.memory_space<vmem>>, vector<1x1x16xf32>,
        %get3A_510 = vector.shape_cast %get3A_509 : vector<1x1x16xf32> to vector<16xf32>
        %mul3A_511 = arith.constant 8.000000e+00 : f32
        %mul3A_512 = vector.broadcast %mul3A_511 : f32 to vector<16xf32>
        %mul3A_513 = arith.mulf %get3A_510, %mul3A_512 : vector<16xf32>
        %swap3A_514 = arith.constant 3 : i32
        %swap3A_515 = arith.index_cast %swap3A_514 : i32 to index
        %swap3A_516 = arith.index_cast %scan3A_297 : i32 to index
        %swap3A_517 = arith.constant 16 : index
        %swap3A_518 = tpu.vector_load %arg7[%swap3A_515, %swap3A_516, %swap3A_517] {strides = array<i32>} : memref<4x200x64xf32, #tpu.memory_space<vmem>>, vector<1x1x16xf32>,
        %swap3A_519 = vector.shape_cast %swap3A_518 : vector<1x1x16xf32> to vector<16xf32>
        %swap3A_520 = vector.shape_cast %mul3A_513 : vector<16xf32> to vector<1x1x16xf32>
        tpu.vector_store %arg7[%swap3A_515, %swap3A_516, %swap3A_517], %swap3A_520 {strides = array<i32>} : memref<4x200x64xf32, #tpu.memory_space<vmem>>, vector<1x1x16xf32>,
        %get3A_521 = arith.constant 3 : i32
        %get3A_522 = arith.index_cast %get3A_521 : i32 to index
        %get3A_523 = arith.index_cast %scan3A_297 : i32 to index
        %get3A_524 = arith.constant 32 : index
        %get3A_525 = tpu.vector_load %arg7[%get3A_522, %get3A_523, %get3A_524] {strides = array<i32>} : memref<4x200x64xf32, #tpu.memory_space<vmem>>, vector<1x1x16xf32>,
        %get3A_526 = vector.shape_cast %get3A_525 : vector<1x1x16xf32> to vector<16xf32>
        %mul3A_527 = arith.constant 8.000000e+00 : f32
        %mul3A_528 = vector.broadcast %mul3A_527 : f32 to vector<16xf32>
        %mul3A_529 = arith.mulf %get3A_526, %mul3A_528 : vector<16xf32>
        %swap3A_530 = arith.constant 3 : i32
        %swap3A_531 = arith.index_cast %swap3A_530 : i32 to index
        %swap3A_532 = arith.index_cast %scan3A_297 : i32 to index
        %swap3A_533 = arith.constant 32 : index
        %swap3A_534 = tpu.vector_load %arg7[%swap3A_531, %swap3A_532, %swap3A_533] {strides = array<i32>} : memref<4x200x64xf32, #tpu.memory_space<vmem>>, vector<1x1x16xf32>,
        %swap3A_535 = vector.shape_cast %swap3A_534 : vector<1x1x16xf32> to vector<16xf32>
        %swap3A_536 = vector.shape_cast %mul3A_529 : vector<16xf32> to vector<1x1x16xf32>
        tpu.vector_store %arg7[%swap3A_531, %swap3A_532, %swap3A_533], %swap3A_536 {strides = array<i32>} : memref<4x200x64xf32, #tpu.memory_space<vmem>>, vector<1x1x16xf32>,
        %get3A_537 = arith.constant 3 : i32
        %get3A_538 = arith.index_cast %get3A_537 : i32 to index
        %get3A_539 = arith.index_cast %scan3A_297 : i32 to index
        %get3A_540 = arith.constant 48 : index
        %get3A_541 = tpu.vector_load %arg7[%get3A_538, %get3A_539, %get3A_540] {strides = array<i32>} : memref<4x200x64xf32, #tpu.memory_space<vmem>>, vector<1x1x16xf32>,
        %get3A_542 = vector.shape_cast %get3A_541 : vector<1x1x16xf32> to vector<16xf32>
        %mul3A_543 = arith.constant 8.000000e+00 : f32
        %mul3A_544 = vector.broadcast %mul3A_543 : f32 to vector<16xf32>
        %mul3A_545 = arith.mulf %get3A_542, %mul3A_544 : vector<16xf32>
        %swap3A_546 = arith.constant 3 : i32
        %swap3A_547 = arith.index_cast %swap3A_546 : i32 to index
        %swap3A_548 = arith.index_cast %scan3A_297 : i32 to index
        %swap3A_549 = arith.constant 48 : index
        %swap3A_550 = tpu.vector_load %arg7[%swap3A_547, %swap3A_548, %swap3A_549] {strides = array<i32>} : memref<4x200x64xf32, #tpu.memory_space<vmem>>, vector<1x1x16xf32>,
        %swap3A_551 = vector.shape_cast %swap3A_550 : vector<1x1x16xf32> to vector<16xf32>
        %swap3A_552 = vector.shape_cast %mul3A_545 : vector<16xf32> to vector<1x1x16xf32>
        tpu.vector_store %arg7[%swap3A_547, %swap3A_548, %swap3A_549], %swap3A_552 {strides = array<i32>} : memref<4x200x64xf32, #tpu.memory_space<vmem>>, vector<1x1x16xf32>,
        %scan3A_553 = arith.constant 0 : i32
        scf.yield %scan3A_553 : i32
      }
      %scan3A_286 = arith.constant 200 : i32
      %mul3A_287 = arith.constant 4 : i32
      %mul3A_288 = arith.muli %add3A_68, %mul3A_287 : i32
      %add3A_289 = arith.addi %mul3A_2, %mul3A_288 : i32
      %dma_start3A_290 = arith.constant 0 : i32
      %dma_start3A_291 = arith.constant 0 : i32
      %dma_start3A_292 = tpu.memref_slice %arg4[%add3A_289, %dma_start3A_290, %dma_start3A_291] : memref<4096x200x64xf32, #tpu.memory_space<hbm>> -> memref<4x200x64xf32, #tpu.memory_space<hbm>>
      %dma_start3A_293 = arith.constant 0 : i32
      %dma_start3A_294 = arith.constant 0 : i32
      %dma_start3A_295 = tpu.memref_slice %arg4[%add3A_289, %dma_start3A_293, %dma_start3A_294] : memref<4096x200x64xf32, #tpu.memory_space<hbm>> -> memref<4x200x64xf32, #tpu.memory_space<hbm>>
      tpu.enqueue_dma source(%arg7 : memref<4x200x64xf32, #tpu.memory_space<vmem>>) target(%dma_start3A_295 : memref<4x200x64xf32, #tpu.memory_space<hbm>>) target_semaphore(%arg11 : memref<!tpu.dma_semaphore, #tpu.memory_space<semaphore_mem>>)
      %scan3A_296 = arith.constant 0 : i32
      scf.yield %scan3A_296 : i32
    }
    %scan3A_55 = arith.constant 16 : i32
    %add3A_56 = arith.constant 124 : i32
    %add3A_57 = arith.addi %mul3A_2, %add3A_56 : i32
    %dma_wait3A = arith.constant 0 : i32
    %dma_wait3A_58 = arith.constant 0 : i32
    %dma_wait3A_59 = tpu.memref_slice %arg4[%add3A_57, %dma_wait3A, %dma_wait3A_58] : memref<4096x200x64xf32, #tpu.memory_space<hbm>> -> memref<4x200x64xf32, #tpu.memory_space<hbm>>
    %dma_wait3A_60 = arith.constant 0 : i32
    %dma_wait3A_61 = arith.constant 0 : i32
    %dma_wait3A_62 = tpu.memref_slice %arg4[%add3A_57, %dma_wait3A_60, %dma_wait3A_61] : memref<4096x200x64xf32, #tpu.memory_space<hbm>> -> memref<4x200x64xf32, #tpu.memory_space<hbm>>
    tpu.wait_dma2 semaphore(%arg11 : memref<!tpu.dma_semaphore, #tpu.memory_space<semaphore_mem>>) src(%arg7 : memref<4x200x64xf32, #tpu.memory_space<vmem>>) dst(%dma_wait3A_62 : memref<4x200x64xf32, #tpu.memory_space<hbm>>)
    return
  }
}

</mosaic_0001>

<sc_bundles>
// kernel: kernel.3.cloned.1.call-start
scs
__scs_entry_jumppad:
0x0: {  	(pc) =	sbr.rel $0x88, $3  }
0x1: {  	(tag) =	ssettag $0x0;
	lr =	simm.s32 $0x1  }
0x2: {  	[smem:$0x3F9F] =	sst lr;
	_ =	strace $0xD0000000  }
0x3: {  	_ = 	snop  }
0x4: {  	_ = 	snop  }
0x5: {  	_ = 	snop  }
0x6: {  	_ = 	snop  }
0x7: {  	_ = 	snop  }
__scs_overlays_trampoline_lowered:
0x8: {  	[smem:$0x3FAE] =	sst s0  }
0x9: {  	[smem:$0x3FAF] =	sst s1  }
0xa: {  	[smem:$0x3FB0] =	sst s2  }
0xb: {  	[smem:$0x3FB1] =	sst s3  }
0xc: {  	[smem:$0x3FB2] =	sst s4  }
0xd: {  	[smem:$0x3FB3] =	sst s5  }
0xe: {  	[smem:$0x3FB4] =	sst s6  }
0xf: {  	[smem:$0x3FB5] =	sst s7  }
0x10: {  	[smem:$0x3FB6] =	sst s8  }
0x11: {  	[smem:$0x3FB7] =	sst s9;
	s0 =	simm.s32 @!p0 $0x0  }
0x12: {  	s1 =	sld [smem:$0x3F9D];
	s0 =	simm.s32 @p0 $0x1  }
0x13: {  	[smem:$0x3FB8] =	sst s0;
	s0 =	simm.s32 @!p1 $0x0  }
0x14: {  	s2 =	sld [smem:$0x3F9C];
	s0 =	simm.s32 @p1 $0x1  }
0x15: {  	[smem:$0x3FB9] =	sst s0;
	s0 =	simm.s32 @!p2 $0x0  }
0x16: {  	s3 =	sld [smem:$0x3FDB];
	s0 =	simm.s32 @p2 $0x1  }
0x17: {  	s4 =	simm.s32 $0x1BF5;
	[smem:$0x3FBB] =	sst s0  }
0x18: {  	s0 =	sld [smem:$0x3F9E];
	_ =	swait.ge [sflag:s4], $0x0  }
0x19: {  	s7 =	sld [smem:$0x3F9F]  }
0x1a: {  	s8 =	sadd.s32 $0xFFFFE003, lr  }
0x1b: {  	s9 =	sadd.s32 $0xFFFFFEF7, lr;
	s5 =	simm.s32 $0xFFFFFFFF;
	p2 =	slt.u32 s8, $0xFFFFF086  }
0x1c: {  	p1 =	slt.u32 s9, $0xF7A;
	s5 =	simm.s32 @!p2 $0x0  }
0x1d: {  	s5 =	simm.s32 @p1 $0x1;
	p0 =	seq.s32 s7, s2  }
0x1e: {  	s7 =	smul.u32 @!p0 $0xF7A, s2;
	p2 =	seq.s32 @!p0 s5, $0x0  }
0x1f: {  	s9 =	smul.u32 $0xF7A, s1;
	s8 =	simm.s32 @!p0 $0x1BF5;
	p2 =	por !p2, p0  }
0x20: {  	[sflag:s8] =	ssyncset.s32 @!p0 $0xFFFFF086;
	s6 =	sadd.s32 @!p0 s3, s7;
	s7 =	simm.s32 @!p0 $0x108  }
0x21: {  	s3 =	sadd.s32 s3, s9;
	s6 =	sadd.s32 @!p0 $0x88, s6;
	s7 =	simm.s32 @p2 $0x1082  }
0x22: {  	[simem:s7], [sflag:s8] =	dma.local @!p0 [hbm:s6], $0xF7A  }
0x23: {  	s9 =	sor.u32 $0xD0000000, s2;
	s6 =	simm.s32 $0x108;
	_ =	swait.ge @!p0 [sflag:s8], $0x0  }
0x24: {  	s3 =	sadd.s32 $0x88, s3;
	s6 =	simm.s32 @!p1 $0x1082;
	[sflag:s4] =	ssyncset.s32 $0xFFFFF086  }
0x25: {  	[simem:s6], [sflag:s4] =	dma.local [hbm:s3], $0xF7A  }
0x26: {  	[smem:$0x3F9F] =	sst s1;
	(tag) =	ssettag s2;
	_ =	strace s9  }
0x27: {  	s1 =	sld [smem:$0x3FAF]  }
0x28: {  	s2 =	sld [smem:$0x3FB0]  }
0x29: {  	s4 =	sld [smem:$0x3FB2]  }
0x2a: {  	p0 =	seq.s32 s5, $0x0;
	s5 =	sld [smem:$0x3FB3]  }
0x2b: {  	s6 =	sld [smem:$0x3FB4]  }
0x2c: {  	s7 =	sld [smem:$0x3FB5]  }
0x2d: {  	s3 =	simm.s32 $0x108;
	s8 =	sld [smem:$0x3FB6]  }
0x2e: {  	s3 =	simm.s32 @!p0 $0x1082;
	s9 =	sld [smem:$0x3FB7]  }
0x2f: {  	lr =	sadd.s32 s0, s3;
	s0 =	sld [smem:$0x3FAE]  }
0x30: {  	s3 =	sld [smem:$0x3FB1]  }
0x31: {  	[smem:$0x3FBA] =	sst s10  }
0x32: {  	s10 =	sld [smem:$0x3FB8];
	_ =	sdelay $0x3  }
0x33: {  	p0 =	seq.s32 s10, $0x1;
	s10 =	sld [smem:$0x3FBA];
	_ =	sdelay $0x3  }
0x34: {  	[smem:$0x3FBA] =	sst s10  }
0x35: {  	s10 =	sld [smem:$0x3FB9];
	_ =	sdelay $0x3  }
0x36: {  	p1 =	seq.s32 s10, $0x1;
	s10 =	sld [smem:$0x3FBA];
	_ =	sdelay $0x3  }
0x37: {  	[smem:$0x3FBA] =	sst s10  }
0x38: {  	s10 =	sld [smem:$0x3FBB]  }
0x39: {  	_ = 	snop;
	(pc) =	sbr.ind lr, $3  }
0x3a: {  	_ = 	snop  }
0x3b: {  	_ = 	snop  }
0x3c: {  	p2 =	seq.s32 s10, $0x1;
	s10 =	sld [smem:$0x3FBA]  }
0x3d: {  	_ =	shalt  }
0x3e: {  	_ =	shalt  }
0x3f: {  	_ =	shalt  }
0x40: {  	_ =	shalt  }
0x41: {  	_ =	shalt  }
0x42: {  	_ =	shalt  }
0x43: {  	_ =	shalt  }
0x44: {  	_ =	shalt  }
0x45: {  	_ =	shalt  }
0x46: {  	_ =	shalt  }
0x47: {  	_ =	shalt  }
0x48: {  	_ =	shalt  }
0x49: {  	_ =	shalt  }
0x4a: {  	_ =	shalt  }
0x4b: {  	_ =	shalt  }
0x4c: {  	_ =	shalt  }
0x4d: {  	_ =	shalt  }
0x4e: {  	_ =	shalt  }
0x4f: {  	_ =	shalt  }
0x50: {  	_ =	shalt  }
0x51: {  	_ =	shalt  }
0x52: {  	_ =	shalt  }
0x53: {  	_ =	shalt  }
0x54: {  	_ =	shalt  }
0x55: {  	_ =	shalt  }
0x56: {  	_ =	shalt  }
0x57: {  	_ =	shalt  }
0x58: {  	_ =	shalt  }
0x59: {  	_ =	shalt  }
0x5a: {  	_ =	shalt  }
0x5b: {  	_ =	shalt  }
0x5c: {  	_ =	shalt  }
0x5d: {  	_ =	shalt  }
0x5e: {  	_ =	shalt  }
0x5f: {  	_ =	shalt  }
0x60: {  	_ =	shalt  }
0x61: {  	_ =	shalt  }
0x62: {  	_ =	shalt  }
0x63: {  	_ =	shalt  }
0x64: {  	_ =	shalt  }
0x65: {  	_ =	shalt  }
0x66: {  	_ =	shalt  }
0x67: {  	_ =	shalt  }
0x68: {  	_ =	shalt  }
0x69: {  	_ =	shalt  }
0x6a: {  	_ =	shalt  }
0x6b: {  	_ =	shalt  }
0x6c: {  	_ =	shalt  }
0x6d: {  	_ =	shalt  }
0x6e: {  	_ =	shalt  }
0x6f: {  	_ =	shalt  }
0x70: {  	_ =	shalt  }
0x71: {  	_ =	shalt  }
0x72: {  	_ =	shalt  }
0x73: {  	_ =	shalt  }
0x74: {  	_ =	shalt  }
0x75: {  	_ =	shalt  }
0x76: {  	_ =	shalt  }
0x77: {  	_ =	shalt  }
0x78: {  	_ =	shalt  }
0x79: {  	_ =	shalt  }
0x7a: {  	_ =	shalt  }
0x7b: {  	_ =	shalt  }
0x7c: {  	_ =	shalt  }
0x7d: {  	_ =	shalt  }
0x7e: {  	_ =	shalt  }
0x7f: {  	_ =	shalt  }
0x80: {  	_ =	shalt  }
0x81: {  	_ =	shalt  }
0x82: {  	_ =	shalt  }
0x83: {  	_ =	shalt  }
0x84: {  	_ =	shalt  }
0x85: {  	_ =	shalt  }
0x86: {  	_ =	shalt  }
0x87: {  	_ =	shalt  }
.Lfunc_end0:
.L_simem_size_0:
called_computation.1_lowered:
.L_overlay_start_0:
0x88: {  	s2 =	sld [smem:$0x3FD9]  }
0x89: {  	s3 =	sld [smem:$0x3FFE];
	_ =	sdelay $0x1  }
0x8a: {  	s1 =	srdreg.scid  }
0x8b: {  	s0 =	sand.u32 $0x1, s1  }
0x8c: {  	s17 =	sshll.u32 s0, $0xA;
	s2 =	sadd.s32 s3, s2  }
0x8d: {  	s2 =	sadd.s32 s2, s17  }
0x8e: {  	[smem:$0x3FC6] =	sst s2  }
0x8f: {  	_ = 	snop  }
0x90: {  	s2 =	sld [smem:$0x3FD0];
	(tm) =	ssettm $0x1  }
0x91: {  	s18 =	sld [smem:$0x3FFB];
	_ =	sdelay $0x3  }
0x92: {  	_ =	strace s18  }
0x93: {  	s3 =	sld [smem:$0x3FFC];
	_ =	sdelay $0x3  }
0x94: {  	_ =	strace s3  }
0x95: {  	s3 =	sld [smem:$0x3FFD];
	_ =	sdelay $0x3  }
0x96: {  	_ =	strace s3  }
0x97: {  	_ =	strace $0x8FFFFFFF  }
0x98: {  	s19 =	sld [smem:$0x3FDB];
	_ =	sdelay $0x1  }
0x99: {  	s4 =	simm.s32 $_scs_section_size  }
0x9a: {  	s5 =	simm.s32 $_size__tile_overlayer_lowered;
	s6 =	simm.s32 $_tile_overlayer_lowered  }
0x9b: {  	s22 =	simm.s32 $0x1BFF;
	s21 =	sshll.u32 s6, $0x1;
	s3 =	sadd.s32 s4, s19  }
0x9c: {  	s7 =	simm.s32 $0x0;
	s20 =	sshll.u32 s5, $0x1;
	s5 =	sadd.s32 s21, s3  }
0x9d: {  	[timem:s7], [sflag:s22] =	dma.local [hbm:s5], s20  }
0x9e: {  	_ =	swait.ge [sflag:s22], s20  }
0x9f: {  	s4 =	ssub.s32 $0x0, s20;
	[sflag:s22] =	ssyncset.done $0x0  }
0xa0: {  	[sflag:s22] =	ssyncadd.s32 s4;
	_ =	sdelay $0x1  }
0xa1: {  	s23 =	simm.s32 $0x1B8B  }
0xa2: {  	_ =	swait.ge [sflag:s23], $0x1  }
0xa3: {  	[sflag:s23] =	ssyncset.done $0x0  }
0xa4: {  	s25 =	simm.s32 $0x1B8E;
	s24 =	sld [smem:$0x3FFE];
	[sflag:s23] =	ssyncadd.s32 $0xFFFFFFFF  }
0xa5: {  	s26 =	simm.s32 $execute0_lowered;
	[smem:$0x3FD2] =	sst s25  }
0xa6: {  	s5 =	sshll.u32 s26, $0x1;
	_ =	strace $0x80000046;
	[dreg:$0x1] =	wrdreg $0xFFFFFFFF  }
0xa7: {  	s28 =	simm.s32 $_size_execute0_lowered;
	s3 =	sadd.s32 s3, s5;
	[dreg:$0x0] =	wrdreg $0x0  }
0xa8: {  	s5 =	sshll.u32 s28, $0x1;
	[dreg:$0x2] =	wrdreg s3  }
0xa9: {  	[dreg:$0x3] =	wrdreg s5  }
0xaa: {  	[dreg:$0x4] =	wrdreg $0xC0  }
0xab: {  	_ =	task [dreg:s7], $0x5FFFF  }
0xac: {  	[dreg:$0x1] =	wrdreg $0xFFFFFFFF  }
0xad: {  	[dreg:$0x0] =	wrdreg $0x60  }
0xae: {  	[dreg:$0x2] =	wrdreg s24  }
0xaf: {  	[dreg:$0x3] =	wrdreg s2  }
0xb0: {  	[dreg:$0x4] =	wrdreg $0x9  }
0xb1: {  	_ =	task.clear_ibuf [dreg:s7], $0x5FFFF;
	_ =	strace $0x90000046  }
0xb2: {  	s29 =	simm.s32 $0x9;
	_ =	strace $0x80000048  }
0xb3: {  	_ =	swait.ge [sflag:s29], $0x1  }
0xb4: {  	[sflag:s29] =	ssyncadd.s32 $0xFFFFFFFF  }
0xb5: {  	_ =	strace $0x90000048  }
0xb6: {  	_ =	sfence  }
0xb7: {  	s30 =	sld [smem:$0x0];
	_ =	sdelay $0x2  }
0xb8: {  	s31 =	sshll.u32 s1, $0xD;
	s1 =	sshrl.u32 s1, $0x2  }
0xb9: {  	s3 =	sand.u32 $0x4000, s31;
	s1 =	sadd.s32 s1, s30  }
0xba: {  	s0 =	sor.u32 s3, s0;
	s1 =	sshll.u32 s1, $0x11  }
0xbb: {  	s0 =	sor.u32 s1, s0  }
0xbc: {  	s0 =	sadd.s32 $0x8F2B, s0  }
0xbd: {  	[sflag:s0] =	ssyncadd.remote.s32 $0x1  }
0xbe: {  	_ =	sfence.sel $0xFFFF  }
0xbf: {  	[dreg:$0x0] =	wrdreg $0xFFFFFFFF;
	(pc) =	sbr.abs _section_cstart, $3  }
0xc0: {  	[dreg:$0x1] =	wrdreg $0xFFFFFFFF  }
0xc1: {  	_ =	task.clear_ibuf [dreg:s7], $0x2FFFF;
	_ =	strace $0x9FFFFFFF  }
0xc2: {  	(tm) =	ssettm $0x7FFFFFFF  }
0xc3: {  	_ =	shalt  }
tec
execute0_lowered:
.L_overlay_start_1:
0x0: {  	(tag) =	ssettag $0x1  }
0x1: {  	s1 =	srdreg.scid  }
0x2: {  	s0 =	stileid.u32;
	s6 =	rddreg [dreg:$0x0]  }
0x3: {  	s2 =	rddreg [dreg:$0x1];
	s4 =	simm.s32 $0x0;
	s10 =	simm.s32 $0x6400  }
0x4: {  	s11 =	simm.s32 $0x9600;
	s12 =	simm.s32 $0x190;
	s13 =	simm.s32 $0xC800  }
0x5: {  	s14 =	simm.s32 $0x258;
	s15 =	simm.s32 $0xFA00;
	s16 =	simm.s32 $0x1  }
0x6: {  	s17 =	simm.s32 $0x12C00;
	s18 =	simm.s32 $0x15E00;
	s19 =	simm.s32 $0x19000  }
0x7: {  	s20 =	simm.s32 $0x1C200;
	s21 =	simm.s32 $0x2;
	s5 =	sand.u32 $0x1, s1  }
0x8: {  	s22 =	simm.s32 $0x3;
	s31 =	sshll.u32 s0, $0x8;
	s3 =	sshll.u32 s5, $0x7  }
0x9: {  	s23 =	simm.s32 $0x4;
	s24 =	simm.s32 $0x0;
	s3 =	sor.u32 s3, s31  }
0xa: {  	[smem:$0x7FF] =	sst s4;
	s8 =	ssub.s32 $0x2, s5;
	s7 =	smul.u32 $0x19, s3  }
0xb: {  	_ =	strace $0x80000047;
	s5 =	sadd.s32 $0xF42E00, s6;
	s9 =	sshrl.u32 s8, $0x1  }
0xc: {  	s8 =	ssub.s32 s8, s9;
	s9 =	simm.s32 $0xC8;
	s7 =	sadd.s32 s7, s6  }
0xd: {  	s6 =	sadd.s32 $0xA00, s7;
	s7 =	smax.u32 s8, $0x1;
	s8 =	simm.s32 $0x5  }
.LBB2_1:
0xe: {  	[tilespmem:s4], [sflag:$0x5] =	stream.linear.gather [hbm4b:s6+s4], $0x6400, $0x38;
	[tilespmem:$0x1F400] =	vst v63  }
0xf: {  	_ =	swait.ge [sflag:s8], $0x6400  }
0x10: {  	[sflag:s8] =	ssyncset.done $0x0  }
0x11: {  	[sflag:s8] =	ssyncadd.s32 $0xFFFF9C00  }
0x12: {  	[tilespmem:s10], [sflag:$0x1] =	stream.indirect.gather [hbm4b:s5+s9], $0x40, s4, s9, $0xb8;
	[tilespmem:$0x1F400] =	vst v63  }
0x13: {  	_ = 	snop  }
0x14: {  	[tilespmem:s11], [sflag:$0x1] =	stream.indirect.gather [hbm4b:s5+s9], $0x40, s9, s9, $0xb8;
	[tilespmem:$0x1F400] =	vst v63  }
0x15: {  	_ = 	snop  }
0x16: {  	[tilespmem:s13], [sflag:$0x1] =	stream.indirect.gather [hbm4b:s5+s9], $0x40, s12, s9, $0xb8;
	[tilespmem:$0x1F400] =	vst v63  }
0x17: {  	s25 =	simm.s32 $0x0  }
0x18: {  	[tilespmem:s15], [sflag:$0x1] =	stream.indirect.gather [hbm4b:s5+s9], $0x40, s14, s9, $0xb8;
	[tilespmem:$0x1F400] =	vst v63  }
.LBB2_2:
0x19: {  	_ =	swait.ge [sflag:s16], $0x3200  }
0x1a: {  	[sflag:s16] =	ssyncset.done $0x0  }
0x1b: {  	[sflag:s16] =	ssyncadd.s32 $0xFFFFCE00  }
0x1c: {  	_ =	swait.ge [sflag:s16], $0x3200  }
0x1d: {  	[sflag:s16] =	ssyncset.done $0x0  }
0x1e: {  	[sflag:s16] =	ssyncadd.s32 $0xFFFFCE00  }
0x1f: {  	_ =	swait.ge [sflag:s16], $0x3200  }
0x20: {  	[sflag:s16] =	ssyncset.done $0x0  }
0x21: {  	[sflag:s16] =	ssyncadd.s32 $0xFFFFCE00  }
0x22: {  	_ =	swait.ge [sflag:s16], $0x3200  }
0x23: {  	p0 =	seq.s32 s25, $0x0;
	s29 =	sshll.u32 s25, $0x3;
	[sflag:s16] =	ssyncset.done $0x0  }
0x24: {  	s28 =	simm.s32 @!p0 $0x4;
	s26 =	sor.u32 $0x4, s29;
	[sflag:s16] =	ssyncadd.s32 $0xFFFFCE00  }
0x25: {  	s30 =	smul.u32 $0x320, s26;
	_ =	swait.ge @!p0 [sflag:s28], $0xC800  }
0x26: {  	[sflag:s28] =	ssyncset.done @!p0 $0x0  }
0x27: {  	[sflag:s28] =	ssyncadd.s32 @!p0 $0xFFFF3800;
	s28 =	sshra.s32 s30, $0x2;
	s30 =	smul.u32 $0x1900, s25  }
0x28: {  	[tilespmem:s17], [sflag:$0x2] =	stream.indirect.gather [hbm4b:s5+s9], $0x40, s28, s9, $0xb8;
	[tilespmem:$0x1F400] =	vst v63  }
0x29: {  	s28 =	sshra.s32 s30, $0x2  }
0x2a: {  	s30 =	sadd.s32 $0x3E8, s28  }
0x2b: {  	[tilespmem:s18], [sflag:$0x2] =	stream.indirect.gather [hbm4b:s5+s9], $0x40, s30, s9, $0xb8;
	[tilespmem:$0x1F400] =	vst v63  }
0x2c: {  	s30 =	sadd.s32 $0x4B0, s28  }
0x2d: {  	[tilespmem:s19], [sflag:$0x2] =	stream.indirect.gather [hbm4b:s5+s9], $0x40, s30, s9, $0xb8;
	[tilespmem:$0x1F400] =	vst v63  }
0x2e: {  	s30 =	sadd.s32 $0x578, s28  }
0x2f: {  	[tilespmem:s20], [sflag:$0x2] =	stream.indirect.gather [hbm4b:s5+s9], $0x40, s30, s9, $0xb8;
	[tilespmem:$0x1F400] =	vst v63  }
0x30: {  	s30 =	simm.s32 $0x0  }
0x31: {  	v0 =	vld [tilespmem:s30+$0x6400]  }
0x32: {  	v1 =	vld [tilespmem:s30+$0x6410]  }
0x33: {  	v2 =	vld [tilespmem:s30+$0x6420]  }
0x34: {  	v3 =	vld [tilespmem:s30+$0x6430]  }
0x35: {  	v4 =	vld [tilespmem:s30+$0x9600]  }
0x36: {  	v5 =	vld [tilespmem:s30+$0x9610];
	v0 =	vmul.f32 $8.000000000e+00, v0  }
0x37: {  	v6 =	vld [tilespmem:s30+$0x9620];
	v1 =	vmul.f32 $8.000000000e+00, v1  }
0x38: {  	v7 =	vld [tilespmem:s30+$0x9630];
	[tilespmem:s30+$0x6400] =	vst v0;
	v0 =	vmul.f32 $8.000000000e+00, v2  }
0x39: {  	v8 =	vld [tilespmem:s30+$0xC800];
	[tilespmem:s30+$0x6410] =	vst v1;
	v1 =	vmul.f32 $8.000000000e+00, v3  }
0x3a: {  	v9 =	vld [tilespmem:s30+$0xC810];
	[tilespmem:s30+$0x6420] =	vst v0;
	v0 =	vmul.f32 $8.000000000e+00, v4  }
0x3b: {  	v2 =	vmul.f32 $8.000000000e+00, v5;
	[tilespmem:s30+$0x6430] =	vst v1;
	v1 =	vld [tilespmem:s30+$0xC820]  }
0x3c: {  	v3 =	vmul.f32 $8.000000000e+00, v6;
	[tilespmem:s30+$0x9600] =	vst v0;
	v0 =	vld [tilespmem:s30+$0xC830]  }
0x3d: {  	[tilespmem:s30+$0x9610] =	vst v2;
	v2 =	vld [tilespmem:s30+$0xFA00];
	v4 =	vmul.f32 $8.000000000e+00, v7  }
0x3e: {  	v6 =	vmul.f32 $8.000000000e+00, v8;
	[tilespmem:s30+$0x9620] =	vst v3;
	v3 =	vld [tilespmem:s30+$0xFA10]  }
0x3f: {  	s31 =	simm.s32 $0x100;
	v5 =	vmul.f32 $8.000000000e+00, v9;
	[tilespmem:s30+$0x9630] =	vst v4;
	v4 =	vld [tilespmem:s30+$0xFA20]  }
.LBB2_3:
0x40: {  	s1 =	sshra.s32 s31, $0x2;
	p0 =	sne.s32 s31, $0xC700;
	[tilespmem:s30+$0xC800] =	vst v6;
	v1 =	vmul.f32 $8.000000000e+00, v1;
	v6 =	vld [tilespmem:s30+$0xFA30]  }
0x41: {  	v7 =	vld [tilespmem:s1+$0x6400];
	[tilespmem:s30+$0xC810] =	vst v5;
	v0 =	vmul.f32 $8.000000000e+00, v0  }
0x42: {  	v5 =	vld [tilespmem:s1+$0x6410];
	[tilespmem:s30+$0xC820] =	vst v1;
	v1 =	vmul.f32 $8.000000000e+00, v2  }
0x43: {  	v2 =	vld [tilespmem:s1+$0x6420];
	[tilespmem:s30+$0xC830] =	vst v0;
	v0 =	vmul.f32 $8.000000000e+00, v3  }
0x44: {  	v3 =	vld [tilespmem:s1+$0x6430];
	[tilespmem:s30+$0xFA00] =	vst v1;
	v1 =	vmul.f32 $8.000000000e+00, v4  }
0x45: {  	v4 =	vld [tilespmem:s1+$0x9600];
	[tilespmem:s30+$0xFA10] =	vst v0;
	v0 =	vmul.f32 $8.000000000e+00, v6  }
0x46: {  	v6 =	vmul.f32 $8.000000000e+00, v7;
	v7 =	vld [tilespmem:s1+$0x9610];
	[tilespmem:s30+$0xFA20] =	vst v1  }
0x47: {  	v1 =	vmul.f32 $8.000000000e+00, v5;
	v5 =	vld [tilespmem:s1+$0x9620];
	[tilespmem:s30+$0xFA30] =	vst v0;
	s30 =	smov.u32 s1  }
0x48: {  	[tilespmem:s30+$0x6400] =	vst v6;
	v0 =	vmul.f32 $8.000000000e+00, v2;
	v2 =	vld [tilespmem:s30+$0x9630]  }
0x49: {  	[tilespmem:s30+$0x6410] =	vst v1;
	v1 =	vmul.f32 $8.000000000e+00, v3;
	v3 =	vld [tilespmem:s30+$0xC800]  }
0x4a: {  	[tilespmem:s30+$0x6420] =	vst v0;
	v0 =	vmul.f32 $8.000000000e+00, v4;
	v4 =	vld [tilespmem:s30+$0xC810]  }
.Ltmp0:
0x4b: {  	[tilespmem:s30+$0x6430] =	vst v1;
	v6 =	vmul.f32 $8.000000000e+00, v7;
	v1 =	vld [tilespmem:s30+$0xC820];
	(pc) =	sbr.rel @p0 .LBB2_3-.Ltmp0, $4  }
0x4c: {  	[tilespmem:s30+$0x9600] =	vst v0;
	v5 =	vmul.f32 $8.000000000e+00, v5;
	v0 =	vld [tilespmem:s30+$0xC830]  }
0x4d: {  	[tilespmem:s30+$0x9610] =	vst v6;
	v7 =	vmul.f32 $8.000000000e+00, v2;
	v2 =	vld [tilespmem:s30+$0xFA00]  }
0x4e: {  	[tilespmem:s30+$0x9620] =	vst v5;
	v6 =	vmul.f32 $8.000000000e+00, v3;
	v3 =	vld [tilespmem:s30+$0xFA10]  }
0x4f: {  	s31 =	sadd.s32 $0x100, s31;
	[tilespmem:s30+$0x9630] =	vst v7;
	v5 =	vmul.f32 $8.000000000e+00, v4;
	v4 =	vld [tilespmem:s30+$0xFA20]  }
0x50: {  	[tilespmem:s30+$0xC800] =	vst v6;
	v1 =	vmul.f32 $8.000000000e+00, v1;
	v6 =	vld [tilespmem:s30+$0xFA30]  }
0x51: {  	[tilespmem:s30+$0xC810] =	vst v5;
	v0 =	vmul.f32 $8.000000000e+00, v0  }
0x52: {  	[tilespmem:s30+$0xC820] =	vst v1;
	v1 =	vmul.f32 $8.000000000e+00, v2  }
0x53: {  	[tilespmem:s30+$0xC830] =	vst v0;
	v0 =	vmul.f32 $8.000000000e+00, v3  }
0x54: {  	s1 =	sadd.s32 s3, s29;
	[tilespmem:s30+$0xFA00] =	vst v1;
	v1 =	vmul.f32 $8.000000000e+00, v4  }
0x55: {  	s1 =	smul.u32 $0x640, s1;
	[tilespmem:s30+$0xFA10] =	vst v0;
	v0 =	vmul.f32 $8.000000000e+00, v6  }
0x56: {  	[tilespmem:s30+$0xFA20] =	vst v1  }
0x57: {  	s1 =	sadd.s32 s2, s1;
	[tilespmem:s30+$0xFA30] =	vst v0  }
0x58: {  	[hbm4b:s1+s4] =	stream.linear.scatter [tilespmem:s10], [sflag:$0x3], $0xC800, $0x38;
	[tilespmem:$0x1F400] =	vst v63  }
0x59: {  	_ =	swait.ge [sflag:s21], $0x3200  }
0x5a: {  	[sflag:s21] =	ssyncset.done $0x0  }
0x5b: {  	[sflag:s21] =	ssyncadd.s32 $0xFFFFCE00  }
0x5c: {  	_ =	swait.ge [sflag:s21], $0x3200  }
0x5d: {  	[sflag:s21] =	ssyncset.done $0x0  }
0x5e: {  	[sflag:s21] =	ssyncadd.s32 $0xFFFFCE00  }
0x5f: {  	_ =	swait.ge [sflag:s21], $0x3200  }
0x60: {  	[sflag:s21] =	ssyncset.done $0x0  }
0x61: {  	[sflag:s21] =	ssyncadd.s32 $0xFFFFCE00  }
0x62: {  	_ =	swait.ge [sflag:s21], $0x3200  }
0x63: {  	[sflag:s21] =	ssyncset.done $0x0  }
0x64: {  	[sflag:s21] =	ssyncadd.s32 $0xFFFFCE00  }
0x65: {  	p0 =	seq.s32 s25, $0xF;
	_ =	swait.ge [sflag:s22], $0xC800  }
0x66: {  	s29 =	simm.s32 @!p0 $0xC8;
	[sflag:s22] =	ssyncset.done $0x0  }
0x67: {  	s30 =	simm.s32 @!p0 $0x6400;
	s1 =	sadd.s32 @!p0 $0x640, s28;
	[sflag:s22] =	ssyncadd.s32 $0xFFFF3800  }
0x68: {  	[tilespmem:s30], [sflag:$0x1] =	stream.indirect.gather @!p0 [hbm4b:s5+s29], $0x40, s1, s29, $0xb8;
	[tilespmem:$0x1F400] =	vst v63  }
0x69: {  	s1 =	sadd.s32 @!p0 $0x708, s28;
	s30 =	simm.s32 @!p0 $0x9600  }
0x6a: {  	[tilespmem:s30], [sflag:$0x1] =	stream.indirect.gather @!p0 [hbm4b:s5+s29], $0x40, s1, s29, $0xb8;
	[tilespmem:$0x1F400] =	vst v63  }
0x6b: {  	s1 =	sadd.s32 @!p0 $0x7D0, s28;
	s30 =	simm.s32 @!p0 $0xC800  }
0x6c: {  	[tilespmem:s30], [sflag:$0x1] =	stream.indirect.gather @!p0 [hbm4b:s5+s29], $0x40, s1, s29, $0xb8;
	[tilespmem:$0x1F400] =	vst v63  }
0x6d: {  	s1 =	sadd.s32 @!p0 $0x898, s28;
	s28 =	simm.s32 @!p0 $0xFA00  }
0x6e: {  	[tilespmem:s28], [sflag:$0x1] =	stream.indirect.gather @!p0 [hbm4b:s5+s29], $0x40, s1, s29, $0xb8;
	[tilespmem:$0x1F400] =	vst v63  }
0x6f: {  	s28 =	simm.s32 $0x0  }
0x70: {  	v0 =	vld [tilespmem:s28+$0x12C00]  }
0x71: {  	v1 =	vld [tilespmem:s28+$0x12C10]  }
0x72: {  	v2 =	vld [tilespmem:s28+$0x12C20]  }
0x73: {  	v3 =	vld [tilespmem:s28+$0x12C30]  }
0x74: {  	v4 =	vld [tilespmem:s28+$0x15E00]  }
0x75: {  	v5 =	vld [tilespmem:s28+$0x15E10];
	v0 =	vmul.f32 $8.000000000e+00, v0  }
0x76: {  	v6 =	vld [tilespmem:s28+$0x15E20];
	v1 =	vmul.f32 $8.000000000e+00, v1  }
0x77: {  	v7 =	vld [tilespmem:s28+$0x15E30];
	[tilespmem:s28+$0x12C00] =	vst v0;
	v0 =	vmul.f32 $8.000000000e+00, v2  }
0x78: {  	v8 =	vld [tilespmem:s28+$0x19000];
	[tilespmem:s28+$0x12C10] =	vst v1;
	v1 =	vmul.f32 $8.000000000e+00, v3  }
0x79: {  	v9 =	vld [tilespmem:s28+$0x19010];
	[tilespmem:s28+$0x12C20] =	vst v0;
	v0 =	vmul.f32 $8.000000000e+00, v4  }
0x7a: {  	v2 =	vmul.f32 $8.000000000e+00, v5;
	[tilespmem:s28+$0x12C30] =	vst v1;
	v1 =	vld [tilespmem:s28+$0x19020]  }
0x7b: {  	v3 =	vmul.f32 $8.000000000e+00, v6;
	[tilespmem:s28+$0x15E00] =	vst v0;
	v0 =	vld [tilespmem:s28+$0x19030]  }
0x7c: {  	[tilespmem:s28+$0x15E10] =	vst v2;
	v2 =	vld [tilespmem:s28+$0x1C200];
	v4 =	vmul.f32 $8.000000000e+00, v7  }
0x7d: {  	v6 =	vmul.f32 $8.000000000e+00, v8;
	[tilespmem:s28+$0x15E20] =	vst v3;
	v3 =	vld [tilespmem:s28+$0x1C210]  }
0x7e: {  	s29 =	simm.s32 $0x100;
	v5 =	vmul.f32 $8.000000000e+00, v9;
	[tilespmem:s28+$0x15E30] =	vst v4;
	v4 =	vld [tilespmem:s28+$0x1C220]  }
.LBB2_5:
0x7f: {  	s1 =	sshra.s32 s29, $0x2;
	p0 =	sne.s32 s29, $0xC700;
	[tilespmem:s28+$0x19000] =	vst v6;
	v1 =	vmul.f32 $8.000000000e+00, v1;
	v6 =	vld [tilespmem:s28+$0x1C230]  }
0x80: {  	v7 =	vld [tilespmem:s1+$0x12C00];
	[tilespmem:s28+$0x19010] =	vst v5;
	v0 =	vmul.f32 $8.000000000e+00, v0  }
0x81: {  	v5 =	vld [tilespmem:s1+$0x12C10];
	[tilespmem:s28+$0x19020] =	vst v1;
	v1 =	vmul.f32 $8.000000000e+00, v2  }
0x82: {  	v2 =	vld [tilespmem:s1+$0x12C20];
	[tilespmem:s28+$0x19030] =	vst v0;
	v0 =	vmul.f32 $8.000000000e+00, v3  }
0x83: {  	v3 =	vld [tilespmem:s1+$0x12C30];
	[tilespmem:s28+$0x1C200] =	vst v1;
	v1 =	vmul.f32 $8.000000000e+00, v4  }
0x84: {  	v4 =	vld [tilespmem:s1+$0x15E00];
	[tilespmem:s28+$0x1C210] =	vst v0;
	v0 =	vmul.f32 $8.000000000e+00, v6  }
0x85: {  	v6 =	vmul.f32 $8.000000000e+00, v7;
	v7 =	vld [tilespmem:s1+$0x15E10];
	[tilespmem:s28+$0x1C220] =	vst v1  }
0x86: {  	v1 =	vmul.f32 $8.000000000e+00, v5;
	v5 =	vld [tilespmem:s1+$0x15E20];
	[tilespmem:s28+$0x1C230] =	vst v0;
	s28 =	smov.u32 s1  }
0x87: {  	[tilespmem:s28+$0x12C00] =	vst v6;
	v0 =	vmul.f32 $8.000000000e+00, v2;
	v2 =	vld [tilespmem:s28+$0x15E30]  }
0x88: {  	[tilespmem:s28+$0x12C10] =	vst v1;
	v1 =	vmul.f32 $8.000000000e+00, v3;
	v3 =	vld [tilespmem:s28+$0x19000]  }
0x89: {  	[tilespmem:s28+$0x12C20] =	vst v0;
	v0 =	vmul.f32 $8.000000000e+00, v4;
	v4 =	vld [tilespmem:s28+$0x19010]  }
.Ltmp1:
0x8a: {  	[tilespmem:s28+$0x12C30] =	vst v1;
	v6 =	vmul.f32 $8.000000000e+00, v7;
	v1 =	vld [tilespmem:s28+$0x19020];
	(pc) =	sbr.rel @p0 .LBB2_5-.Ltmp1, $4  }
0x8b: {  	[tilespmem:s28+$0x15E00] =	vst v0;
	v5 =	vmul.f32 $8.000000000e+00, v5;
	v0 =	vld [tilespmem:s28+$0x19030]  }
0x8c: {  	[tilespmem:s28+$0x15E10] =	vst v6;
	v7 =	vmul.f32 $8.000000000e+00, v2;
	v2 =	vld [tilespmem:s28+$0x1C200]  }
0x8d: {  	[tilespmem:s28+$0x15E20] =	vst v5;
	v6 =	vmul.f32 $8.000000000e+00, v3;
	v3 =	vld [tilespmem:s28+$0x1C210]  }
0x8e: {  	s29 =	sadd.s32 $0x100, s29;
	[tilespmem:s28+$0x15E30] =	vst v7;
	v5 =	vmul.f32 $8.000000000e+00, v4;
	v4 =	vld [tilespmem:s28+$0x1C220]  }
0x8f: {  	[tilespmem:s28+$0x19000] =	vst v6;
	v1 =	vmul.f32 $8.000000000e+00, v1;
	v59 =	vld [tilespmem:s28+$0x1C230]  }
0x90: {  	[tilespmem:s28+$0x19010] =	vst v5;
	v0 =	vmul.f32 $8.000000000e+00, v0  }
0x91: {  	s25 =	sadd.s32 $0x1, s25;
	[tilespmem:s28+$0x19020] =	vst v1;
	v60 =	vmul.f32 $8.000000000e+00, v2  }
0x92: {  	p0 =	sne.s32 s25, $0x10;
	[tilespmem:s28+$0x19030] =	vst v0;
	v61 =	vmul.f32 $8.000000000e+00, v3  }
.Ltmp2:
0x93: {  	s1 =	sadd.s32 s3, s26;
	[tilespmem:s28+$0x1C200] =	vst v60;
	v62 =	vmul.f32 $8.000000000e+00, v4;
	(pc) =	sbr.rel @p0 .LBB2_2-.Ltmp2, $4  }
0x94: {  	s1 =	smul.u32 $0x640, s1;
	[tilespmem:s28+$0x1C210] =	vst v61;
	v63 =	vmul.f32 $8.000000000e+00, v59  }
0x95: {  	[tilespmem:s28+$0x1C220] =	vst v62  }
0x96: {  	s1 =	sadd.s32 s2, s1;
	[tilespmem:s28+$0x1C230] =	vst v63  }
0x97: {  	[hbm4b:s1+s4] =	stream.linear.scatter [tilespmem:s17], [sflag:$0x4], $0xC800, $0x38;
	[tilespmem:$0x1F400] =	vst v63  }
0x98: {  	s24 =	sadd.s32 $0x1, s24  }
0x99: {  	p0 =	sne.s32 s24, s7  }
.Ltmp3:
0x9a: {  	_ = 	snop;
	(pc) =	sbr.rel @p0 .LBB2_1-.Ltmp3, $4  }
0x9b: {  	_ = 	snop  }
0x9c: {  	_ =	swait.ge [sflag:s23], $0xC800  }
0x9d: {  	[sflag:s23] =	ssyncset.done $0x0  }
0x9e: {  	[sflag:s23] =	ssyncadd.s32 $0xFFFF3800  }
0x9f: {  	_ =	sfence.sel $0x180000  }
0xa0: {  	[bflag:$0x0] =	sbarrier.arrive $0xFFFF  }
0xa1: {  	_ =	strace $0x90000047  }
0xa2: {  	[bflag:$0x2] =	sbarrier.arrive $0xFFFF  }
0xa3: {  	p0 =	sne.s32 s0, $0x0;
	s0 =	rddreg [dreg:$0x2]  }
0xa4: {  	s0 =	sadd.s32 @!p0 $0x100000, s0  }
0xa5: {  	[sflag:s0] =	ssyncadd.tile.s32 @!p0 $0x1;
	_ =	shalt  }
.Lfunc_end2:
_tile_overlayer_lowered:
.L_overlay_start_2:
0xa6: {  	(tag) =	ssettag $0x2  }
0xa7: {  	s0 =	rddreg [dreg:$0x0];
	s2 =	stileid.u32  }
0xa8: {  	s1 =	rddreg [dreg:$0x1];
	p0 =	sne.s32 s2, $0x0  }
0xa9: {  	s3 =	rddreg [dreg:$0x2];
	[bflag:$0x3] =	sbarrier.arrive $0xFFFF;
	s2 =	simm.s32 @!p0 $0x1C05  }
0xaa: {  	[timem:s3], [sflag:s2] =	dma.local @!p0 [hbm:s0], s1  }
0xab: {  	s0 =	simm.s32 @!p0 $0x5  }
0xac: {  	_ =	swait.ge @!p0 [sflag:s0], s1  }
0xad: {  	s1 =	ssub.s32 @!p0 $0x0, s1;
	[sflag:s0] =	ssyncset.done @!p0 $0x0  }
0xae: {  	[sflag:s0] =	ssyncadd.s32 @!p0 s1  }
0xaf: {  	[bflag:$0x3] =	sbarrier.arrive $0xFFFF  }
0xb0: {  	_ =	shalt  }

// kernel: sparse-core-data-format-call.cloned.1.call-start
scs
called_computation_lowered:
.L_overlay_start_0:
0x0: {  	s2 =	sld [smem:$0x3FD9]  }
0x1: {  	s3 =	sld [smem:$0x3FFE];
	_ =	sdelay $0x1  }
0x2: {  	s1 =	srdreg.scid  }
0x3: {  	s0 =	sand.u32 $0x1, s1  }
0x4: {  	s18 =	sshll.u32 s0, $0xA;
	s2 =	sadd.s32 s3, s2  }
0x5: {  	s2 =	sadd.s32 s2, s18  }
0x6: {  	[smem:$0x3FC6] =	sst s2  }
0x7: {  	_ = 	snop  }
0x8: {  	s2 =	sld [smem:$0x3FD0];
	(tm) =	ssettm $0x1  }
0x9: {  	s19 =	sld [smem:$0x3FFB];
	_ =	sdelay $0x3  }
0xa: {  	_ =	strace s19  }
0xb: {  	s3 =	sld [smem:$0x3FFC];
	_ =	sdelay $0x3  }
0xc: {  	_ =	strace s3  }
0xd: {  	s3 =	sld [smem:$0x3FFD];
	_ =	sdelay $0x3  }
0xe: {  	_ =	strace s3  }
0xf: {  	_ =	strace $0x8FFFFFFF  }
0x10: {  	s20 =	sld [smem:$0x3FDB];
	_ =	sdelay $0x1  }
0x11: {  	s4 =	simm.s32 $_scs_section_size  }
0x12: {  	s5 =	simm.s32 $_size__tile_overlayer_lowered;
	s6 =	simm.s32 $_tile_overlayer_lowered  }
0x13: {  	s23 =	simm.s32 $0x1BFF;
	s22 =	sshll.u32 s6, $0x1;
	s3 =	sadd.s32 s4, s20  }
0x14: {  	s7 =	simm.s32 $0x0;
	s21 =	sshll.u32 s5, $0x1;
	s5 =	sadd.s32 s22, s3  }
0x15: {  	[timem:s7], [sflag:s23] =	dma.local [hbm:s5], s21  }
0x16: {  	_ =	swait.ge [sflag:s23], s21  }
0x17: {  	s4 =	ssub.s32 $0x0, s21;
	[sflag:s23] =	ssyncset.done $0x0  }
0x18: {  	[sflag:s23] =	ssyncadd.s32 s4;
	_ =	sdelay $0x1  }
0x19: {  	s24 =	simm.s32 $0x1B8B  }
0x1a: {  	_ =	swait.ge [sflag:s24], $0x1  }
0x1b: {  	[sflag:s24] =	ssyncset.done $0x0  }
0x1c: {  	s26 =	simm.s32 $0x1B8E;
	s25 =	sld [smem:$0x3FFE];
	[sflag:s24] =	ssyncadd.s32 $0xFFFFFFFF  }
0x1d: {  	s27 =	simm.s32 $execute0_lowered;
	[smem:$0x3FD2] =	sst s26  }
0x1e: {  	s5 =	sshll.u32 s27, $0x1;
	_ =	strace $0x80000049;
	[dreg:$0x1] =	wrdreg $0xFFFFFFFF  }
0x1f: {  	s28 =	simm.s32 $_size_execute0_lowered;
	s3 =	sadd.s32 s3, s5;
	[dreg:$0x0] =	wrdreg $0x0  }
0x20: {  	s5 =	sshll.u32 s28, $0x1;
	[dreg:$0x2] =	wrdreg s3  }
0x21: {  	[dreg:$0x3] =	wrdreg s5  }
0x22: {  	[dreg:$0x4] =	wrdreg $0xC0  }
0x23: {  	_ =	task [dreg:s7], $0x5FFFF  }
0x24: {  	[dreg:$0x1] =	wrdreg $0xFFFFFFFF  }
0x25: {  	[dreg:$0x0] =	wrdreg $0x60  }
0x26: {  	[dreg:$0x2] =	wrdreg s25  }
0x27: {  	[dreg:$0x3] =	wrdreg s2  }
0x28: {  	[dreg:$0x4] =	wrdreg $0x9  }
0x29: {  	_ =	task.clear_ibuf [dreg:s7], $0x5FFFF;
	_ =	strace $0x90000049  }
0x2a: {  	s29 =	simm.s32 $0x9;
	_ =	strace $0x8000004B  }
0x2b: {  	_ =	swait.ge [sflag:s29], $0x1  }
0x2c: {  	[sflag:s29] =	ssyncadd.s32 $0xFFFFFFFF  }
0x2d: {  	_ =	strace $0x9000004B  }
0x2e: {  	_ =	sfence  }
0x2f: {  	s30 =	sld [smem:$0x0];
	_ =	sdelay $0x2  }
0x30: {  	s31 =	sshll.u32 s1, $0xD;
	s1 =	sshrl.u32 s1, $0x2  }
0x31: {  	s3 =	sand.u32 $0x4000, s31;
	s1 =	sadd.s32 s1, s30  }
0x32: {  	s0 =	sor.u32 s3, s0;
	s1 =	sshll.u32 s1, $0x11  }
0x33: {  	s0 =	sor.u32 s1, s0  }
0x34: {  	s0 =	sadd.s32 $0x8F2B, s0  }
0x35: {  	[sflag:s0] =	ssyncadd.remote.s32 $0x1  }
0x36: {  	_ =	sfence.sel $0xFFFF  }
0x37: {  	[dreg:$0x0] =	wrdreg $0xFFFFFFFF;
	(pc) =	sbr.abs _section_cstart, $3  }
0x38: {  	[dreg:$0x1] =	wrdreg $0xFFFFFFFF  }
0x39: {  	_ =	task.clear_ibuf [dreg:s7], $0x2FFFF;
	_ =	strace $0x9FFFFFFF  }
0x3a: {  	(tm) =	ssettm $0x7FFFFFFF  }
0x3b: {  	_ =	shalt  }
tec
execute0_lowered:
.L_overlay_start_1:
0x0: {  	(tag) =	ssettag $0x1  }
0x1: {  	s0 =	srdreg.scid  }
0x2: {  	s1 =	sshll.u32 s0, $0x4  }
0x3: {  	s0 =	stileid.u32;
	s1 =	sand.u32 $0x10, s1  }
0x4: {  	s1 =	sor.u32 s0, s1  }
0x5: {  	s6 =	rddreg [dreg:$0x0];
	s4 =	simm.s32 $0x1;
	s2 =	sshll.u32 s1, $0x7  }
0x6: {  	s7 =	simm.s32 $0x2;
	s12 =	simm.s32 $0x0;
	s1 =	ssub.s32 $0x1000, s2  }
0x7: {  	s8 =	simm.s32 $0x8000;
	s13 =	simm.s32 $0x0;
	s3 =	sand.u32 $0xF80, s1  }
0x8: {  	s9 =	simm.s32 $0x0;
	s5 =	sshrl.u32 s1, $0xC;
	p0 =	sne.s32 s3, $0x0  }
.Ltmp0:
0x9: {  	s1 =	rddreg [dreg:$0x2];
	s4 =	simm.s32 @!p0 $0x0;
	(pc) =	sbr.rel .LBB1_1-.Ltmp0, $4  }
0xa: {  	s11 =	simm.s32 $0x0;
	s3 =	rddreg [dreg:$0x1];
	s5 =	sadd.s32 s4, s5  }
0xb: {  	_ =	strace $0x8000004A;
	s4 =	simm.s32 $0x1;
	s5 =	smul.u32 $0xC8, s5  }
0xc: {  	s6 =	sadd.s32 $0xA00, s6;
	s10 =	smov.u32 s2;
	[sflag:s4] =	ssyncpa.u1 $0x0  }
0xd: {  	p0 =	por $0x0, $0x0;
	[sflag:s7] =	ssyncpa.u1 $0x0;
	s7 =	sor.u32 $0x1, s5  }
.LBB1_4:
0xe: {  	s16 =	sshll.u32 s13, $0x3;
	s17 =	sand.u32 $0x78, s13  }
0xf: {  	s30 =	sand.u32 $0x7E00, s13;
	s12 =	sshll.u32 s12, $0xF;
	s16 =	sand.u32 $0xC00, s16  }
0x10: {  	[tilespmem:s15+$0x810 ss:$0x81] =	vst.msk $0xffff, v2;
	s31 =	sand.u32 $0x7, s13;
	s16 =	sor.u32 s17, s16;
	s17 =	sadd.s32 s3, s30  }
0x11: {  	[tilespmem:s15+$0x1020 ss:$0x81] =	vst.msk $0xffff, v0;
	s13 =	sshll.u32 s31, $0x12;
	s12 =	sadd.s32 s12, s17;
	s16 =	sshrl.u32 s16, $0x3  }
0x12: {  	[tilespmem:s15+$0x0 ss:$0x81] =	vst.msk $0xffff, v1;
	s13 =	sor.u32 $0x400, s13;
	s12 =	sadd.s32 s16, s12  }
0x13: {  	[hbm4b:s12+s13] =	stream.strided.scatter [tilespmem:s14], [sflag:$0x2], $0x2000, s8, s13, $0x20;
	[tilespmem:$0x8080] =	vst v63  }
.LBB1_5:
0x14: {  	s14 =	sadd.s32 $0x1, s9  }
0x15: {  	s12 =	sadd.s32 $0x1000, s10;
	s16 =	smov.u32 s10;
	p2 =	sgt.s32 s14, $0xC7  }
0x16: {  	s16 =	smov.u32 @p2 s12  }
0x17: {  	s14 =	simm.s32 @p2 $0x0;
	p2 =	sgt.s32 s16, $0xFFF  }
0x18: {  	s16 =	smov.u32 @p2 s2;
	p2 =	sne.s32 s11, s7  }
.Ltmp1:
0x19: {  	p1 =	slt.u32 s11, $0x2;
	(pc) =	sbr.rel @!p2 .LBB1_6-.Ltmp1, $4  }
0x1a: {  	s15 =	simm.s32 @!p1 $0x2  }
0x1b: {  	s13 =	smov.u32 s10;
	p0 =	por !p0, !p0;
	_ =	swait.ge @!p1 [sflag:s15], $0x2000  }
0x1c: {  	s12 =	smov.u32 s9;
	[sflag:s15] =	ssyncset.done @!p1 $0x0;
	s9 =	smov.u32 s14  }
0x1d: {  	s11 =	sadd.s32 $0x1, s11;
	[sflag:s15] =	ssyncadd.s32 @!p1 $0xFFFFE000;
	s10 =	smov.u32 s16  }
.LBB1_1:
0x1e: {  	p1 =	sge.u32 s11, s5  }
0x1f: {  	s14 =	sand.u32 @!p1 $0x1FFFFFF, s9  }
0x20: {  	s15 =	smulhi.u32 @!p1 $0x147AE15, s14;
	_ =	sdelay $0x1  }
0x21: {  	s15 =	smul.u32 @!p1 $0xC8, s15  }
0x22: {  	s16 =	sxor.u32 @!p1 $0xFFFFFFFF, s11;
	s17 =	smul.u32 @!p1 $0xC80, s10  }
0x23: {  	s31 =	sadd.s32 $0xFFFFFFFF, s11;
	s16 =	sshll.u32 @!p1 s16, $0xD;
	s14 =	ssub.s32 @!p1 s14, s15  }
0x24: {  	s15 =	sand.u32 @!p1 $0x2000, s16;
	s16 =	sadd.s32 @!p1 s6, s17;
	s14 =	sshll.u32 @!p1 s14, $0x4  }
0x25: {  	s17 =	simm.s32 @!p1 $0x6400;
	s14 =	sadd.s32 @!p1 s14, s16;
	s16 =	simm.s32 @!p1 $0x40  }
0x26: {  	[tilespmem:s15], [sflag:$0x1] =	stream.strided.gather @!p1 [hbm4b:s14+s16], $0x2000, s17, s16, $0x38;
	[tilespmem:$0x8080] =	vst v63  }
0x27: {  	p1 =	sge.u32 s31, s5  }
.Ltmp2:
0x28: {  	_ = 	snop;
	(pc) =	sbr.rel @p1 .LBB1_5-.Ltmp2, $1  }
0x29: {  	_ =	sdelay $0x3  }
0x2a: {  	s14 =	simm.s32 $0x1  }
0x2b: {  	_ =	swait.ge [sflag:s4], $0x2000;
	s14 =	simm.s32 @!p0 $0x0  }
0x2c: {  	[sflag:s4] =	ssyncset.done $0x0;
	s15 =	sshll.u32 s14, $0xD  }
0x2d: {  	[sflag:s4] =	ssyncadd.s32 $0xFFFFE000;
	s18 =	sor.u32 $0x20, s15  }
0x2e: {  	s14 =	smul.u32 $0x8100, s14;
	v3 =	vld [tilespmem:s18+$0x10]  }
0x2f: {  	s30 =	sand.u32 $0x1, s11;
	v2 =	vld [tilespmem:s18+$0xFFFFFFF0]  }
0x30: {  	s15 =	smul.u32 $0x8100, s30;
	s14 =	sshrl.u32 s14, $0x2;
	v0 =	vld [tilespmem:s18+$0x0]  }
0x31: {  	v1 =	vld [tilespmem:s18+$0xFFFFFFE0];
	s16 =	sor.u32 $0x4000, s14  }
0x32: {  	s31 =	sshrl.u32 s15, $0x2;
	s15 =	sadd.s32 $0x0, s16  }
0x33: {  	s17 =	simm.s32 $0x4;
	s18 =	sadd.s32 $0x40, s18;
	s14 =	sor.u32 $0x4000, s31;
	[tilespmem:s15+$0x1830 ss:$0x81] =	vst.msk $0xffff, v3  }
.LBB1_3:
0x34: {  	v3 =	vld [tilespmem:s18+$0x10];
	p1 =	sne.s32 s17, $0x1FC;
	[tilespmem:s15+$0x810 ss:$0x81] =	vst.msk $0xffff, v2;
	s19 =	smov.u32 s17;
	s17 =	sadd.s32 $0x4, s17  }
.Ltmp3:
0x35: {  	v2 =	vld [tilespmem:s18+$0xFFFFFFF0];
	[tilespmem:s15+$0x1020 ss:$0x81] =	vst.msk $0xffff, v0;
	(pc) =	sbr.rel @p1 .LBB1_3-.Ltmp3, $4  }
0x36: {  	v0 =	vld [tilespmem:s18+$0x0];
	[tilespmem:s15+$0x0 ss:$0x81] =	vst.msk $0xffff, v1  }
0x37: {  	s15 =	sshra.s32 s19, $0x2;
	v1 =	vld [tilespmem:s18+$0xFFFFFFE0]  }
0x38: {  	s15 =	sadd.s32 s15, s16  }
0x39: {  	s18 =	sadd.s32 $0x40, s18;
	[tilespmem:s15+$0x1830 ss:$0x81] =	vst.msk $0xffff, v3  }
.Ltmp4:
0x3a: {  	_ = 	snop;
	(pc) =	sbr.rel .LBB1_4-.Ltmp4, $1  }
0x3b: {  	_ =	sdelay $0x3  }
.LBB1_6:
0x3c: {  	_ =	sfence.sel $0x180000  }
0x3d: {  	s2 =	simm.s32 $0x1;
	[bflag:$0x0] =	sbarrier.arrive $0xFFFF  }
0x3e: {  	s31 =	simm.s32 $0x2;
	[sflag:s2] =	ssyncpa.u1 $0x1  }
0x3f: {  	[sflag:s31] =	ssyncpa.u1 $0x1  }
0x40: {  	p0 =	sne.s32 s0, $0x0;
	_ =	strace $0x9000004A  }
0x41: {  	s0 =	sadd.s32 @!p0 $0x100000, s1;
	[bflag:$0x2] =	sbarrier.arrive $0xFFFF  }
0x42: {  	[sflag:s0] =	ssyncadd.tile.s32 @!p0 $0x1;
	_ =	shalt  }
.Lfunc_end1:
_tile_overlayer_lowered:
.L_overlay_start_2:
0x43: {  	(tag) =	ssettag $0x2  }
0x44: {  	s0 =	rddreg [dreg:$0x0];
	s2 =	stileid.u32  }
0x45: {  	s1 =	rddreg [dreg:$0x1];
	p0 =	sne.s32 s2, $0x0  }
0x46: {  	s3 =	rddreg [dreg:$0x2];
	[bflag:$0x3] =	sbarrier.arrive $0xFFFF;
	s2 =	simm.s32 @!p0 $0x1C01  }
0x47: {  	[timem:s3], [sflag:s2] =	dma.local @!p0 [hbm:s0], s1  }
0x48: {  	s0 =	simm.s32 @!p0 $0x1  }
0x49: {  	_ =	swait.ge @!p0 [sflag:s0], s1  }
0x4a: {  	s1 =	ssub.s32 @!p0 $0x0, s1;
	[sflag:s0] =	ssyncset.done @!p0 $0x0  }
0x4b: {  	[sflag:s0] =	ssyncadd.s32 @!p0 s1  }
0x4c: {  	[bflag:$0x3] =	sbarrier.arrive $0xFFFF  }
0x4d: {  	_ =	shalt  }

</sc_bundles>
